<compile_context>
chip_gen: v7x
topology: tpu7x:2x2x1
jax: 0.10.2.dev20260603
libtpu: 0.0.44.dev20260713+nightly
codegen_flags: <defaults>
</compile_context>

<pallas_src>
import functools

import jax
import jax.numpy as jnp
from jax import lax
from jax.experimental import pallas as pl
from jax.experimental.pallas import tpu as pltpu
from jax.experimental.pallas import tpu_sc as plsc

VOCAB = 1000
NBATCH = 1024
T = 50
N_TOK = NBATCH * T
NUM_CORES = 2
NUM_SUBCORES = 16
NW = NUM_CORES * NUM_SUBCORES
B_PER_W = NBATCH // NW
PER_W = B_PER_W * T
CHUNK = T
NCHUNK = B_PER_W
NBUF = 2
TPAD = 64
PER_W_PAD = B_PER_W * TPAD

_mesh = plsc.VectorSubcoreMesh(
    core_axis_name="c", subcore_axis_name="s",
    num_cores=NUM_CORES, num_subcores=NUM_SUBCORES)


def _lse_body(tab_ref, out_ref):
    x = tab_ref[...]
    m = jnp.max(x, axis=1)
    s = jnp.sum(jnp.exp(x - m[:, None]), axis=1)
    out_ref[...] = m + jnp.log(s)


_lse_call = pl.pallas_call(
    _lse_body,
    out_shape=jax.ShapeDtypeStruct((VOCAB,), jnp.float32),
)


@functools.partial(
    pl.kernel,
    out_type=(jax.ShapeDtypeStruct((NBATCH, T, VOCAB), jnp.float32),
              jax.ShapeDtypeStruct((NW, 16), jnp.float32)),
    mesh=_mesh,
    compiler_params=pltpu.CompilerParams(use_tc_tiling_on_sc=False,
                                         needs_layout_passes=False),
    scratch_types=[
        pltpu.VMEM((PER_W_PAD,), jnp.int32),
        pltpu.VMEM((PER_W_PAD,), jnp.int32),
        pltpu.VMEM((VOCAB,), jnp.float32),
        pltpu.VMEM((CHUNK, VOCAB), jnp.float32),
        pltpu.VMEM((CHUNK, VOCAB), jnp.float32),
        pltpu.VMEM((16,), jnp.float32),
        pltpu.SemaphoreType.DMA,
        pltpu.SemaphoreType.DMA,
        pltpu.SemaphoreType.DMA,
        pltpu.SemaphoreType.DMA,
    ],
)
def _sc_gather(table_hbm, idx_hbm, tgt_hbm, lse_hbm, out_hbm, part_hbm,
               idx_v, tgt_v, lse_v, rows0, rows1, acc_v,
               gin0, gin1, gout0, gout1):
    bufs = (rows0, rows1)
    gins = (gin0, gin1)
    gouts = (gout0, gout1)
    wid = lax.axis_index("s") * NUM_CORES + lax.axis_index("c")
    base = wid * PER_W_PAD
    batch0 = wid * B_PER_W
    pltpu.sync_copy(idx_hbm.at[pl.ds(base, PER_W_PAD)], idx_v)
    pltpu.sync_copy(tgt_hbm.at[pl.ds(base, PER_W_PAD)], tgt_v)
    pltpu.sync_copy(lse_hbm, lse_v)
    lane = lax.iota(jnp.int32, 16)
    tailmask = (lane < T - 48).astype(jnp.float32)
    tailrows = jnp.minimum(lane + 48, T - 1)

    def g_desc(c, u):
        return pltpu.make_async_copy(
            table_hbm.at[idx_v.at[pl.ds(c * TPAD, CHUNK)]], bufs[u], gins[u])

    def s_desc(c, u):
        return pltpu.make_async_copy(
            bufs[u], out_hbm.at[batch0 + c], gouts[u])

    def compute(c, u, acc):
        off = c * TPAD
        for start, rbase, msk in ((0, lane, None), (16, lane + 16, None),
                                  (32, lane + 32, None),
                                  (48, tailrows, tailmask)):
            sl = pl.ds(off + start, 16)
            ivals = idx_v[sl]
            tvals = tgt_v[sl]
            rvals = plsc.load_gather(bufs[u], [rbase, tvals])
            lvals = plsc.load_gather(lse_v, [ivals])
            d = lvals - rvals
            acc = acc + (d * msk if msk is not None else d)
        return acc

    def step(c, u, acc, wait_sc, issue_next):
        un = (u + 1) % NBUF
        if issue_next:
            if wait_sc:
                s_desc(c - 1, un).wait()
            g_desc(c + 1, un).start()
        g_desc(c, u).wait()
        s_desc(c, u).start()
        return compute(c, u, acc)

    acc = jnp.zeros((16,), jnp.float32)
    g_desc(0, 0).start()
    acc = step(0, 0, acc, wait_sc=False, issue_next=True)
    acc = step(1, 1, acc, wait_sc=True, issue_next=True)

    def ring_body(p, acc):
        c0 = 2 * p
        for u in range(NBUF):
            acc = step(c0 + u, u, acc, wait_sc=True, issue_next=True)
        return acc

    acc = lax.fori_loop(1, NCHUNK // 2 - 1, ring_body, acc)

    acc = step(NCHUNK - 2, 0, acc, wait_sc=True, issue_next=True)
    acc = step(NCHUNK - 1, 1, acc, wait_sc=False, issue_next=False)
    s_desc(NCHUNK - 2, 0).wait()
    s_desc(NCHUNK - 1, 1).wait()
    acc_v[...] = acc
    pltpu.sync_copy(acc_v, part_hbm.at[wid])


def _loss_body(p_ref, out_ref):
    out_ref[...] = jnp.sum(p_ref[...], keepdims=True).reshape(1, 1) * (1.0 / N_TOK)


_loss_call = pl.pallas_call(
    _loss_body,
    out_shape=jax.ShapeDtypeStruct((1, 1), jnp.float32),
)


def kernel(index, target, token_emb_table):
    pad = ((0, 0), (0, TPAD - T))
    idx = jnp.pad(index.astype(jnp.int32), pad).reshape(-1)
    tgt = jnp.pad(target.astype(jnp.int32), pad).reshape(-1)
    lse = _lse_call(token_emb_table)
    logits, partials = _sc_gather(token_emb_table, idx, tgt, lse)
    loss = _loss_call(partials)[0, 0]
    return logits, loss

# --- scband reference (transcript-rebuilt; emitter-appended) ---
"""Pipeline reference for scband-bigram-lm-79955111182336 (READ-ONLY COPY).

The authoritative reference and input builder live on the scoring server;
editing this copy changes nothing except your own understanding.
"""

import jax, jax.numpy as jnp
import numpy as np

VOCAB = 1000
B = 1024
T = 50

def setup_inputs(seed: int = 0) -> dict:
    key = jax.random.key(seed)
    k1, k2, k3 = jax.random.split(key, 3)
    index = jax.random.randint(k1, (B, T), 0, VOCAB, dtype=jnp.int64 if jax.config.jax_enable_x64 else jnp.int32)
    target = jax.random.randint(k2, (B, T), 0, VOCAB, dtype=jnp.int64 if jax.config.jax_enable_x64 else jnp.int32)
    token_emb_table = jax.random.normal(k3, (VOCAB, VOCAB), dtype=jnp.float32) * 0.02
    return {"index": index, "target": target, "token_emb_table": token_emb_table}

def reference(index, target, token_emb_table):
    # logits = self.token_emb_table(index)  -> embedding gather
    logits = jnp.take(token_emb_table, index, axis=0)  # [B, T, C]
    Bv, Tv, C = logits.shape
    # F.cross_entropy(logits.view(-1, C), target.view(-1)) with mean reduction
    logp = jax.nn.log_softmax(logits.reshape(-1, C), axis=-1)
    tgt = target.reshape(-1)
    nll = -jnp.take_along_axis(logp, tgt[:, None], axis=1)[:, 0]
    loss = jnp.mean(nll)
    return (logits, loss)

if __name__ == "__main__":
    import jax
    _d = setup_inputs()
    print(jax.jit(kernel)(*tuple(_d.values())))

</pallas_src>

<mosaic_0001>
#map = affine_map<(d0, d1) -> (0, 0)>
#map1 = affine_map<(d0, d1) -> (0)>
#map2 = affine_map<(d0, d1) -> (0, 0, 0)>
module attributes {stable_mosaic.version = 14 : i64} {
  func.func @_sc_gather(%arg0: i32, %arg1: i32, %arg2: memref<1000x1000xf32, #tpu.memory_space<hbm>>, %arg3: memref<65536xi32, #tpu.memory_space<hbm>>, %arg4: memref<65536xi32, #tpu.memory_space<hbm>>, %arg5: memref<1000xf32, #tpu.memory_space<hbm>>, %arg6: memref<1024x50x1000xf32, #tpu.memory_space<hbm>>, %arg7: memref<32x16xf32, #tpu.memory_space<hbm>>, %arg8: memref<2048xi32, #tpu.memory_space<vmem>>, %arg9: memref<2048xi32, #tpu.memory_space<vmem>>, %arg10: memref<1000xf32, #tpu.memory_space<vmem>>, %arg11: memref<50x1000xf32, #tpu.memory_space<vmem>>, %arg12: memref<50x1000xf32, #tpu.memory_space<vmem>>, %arg13: memref<16xf32, #tpu.memory_space<vmem>>, %arg14: memref<!tpu.dma_semaphore, #tpu.memory_space<semaphore_mem>>, %arg15: memref<!tpu.dma_semaphore, #tpu.memory_space<semaphore_mem>>, %arg16: memref<!tpu.dma_semaphore, #tpu.memory_space<semaphore_mem>>, %arg17: memref<!tpu.dma_semaphore, #tpu.memory_space<semaphore_mem>>) attributes {dimension_semantics = [#tpu.dimension_semantics<core_parallel>, #tpu.dimension_semantics<subcore_parallel>], iteration_bounds = array<i64: 2, 16>, scalar_prefetch = 0 : i64, scratch_operands = 10 : i64, tpu.core_type = #tpu.core_type<sc_vector_subcore>, window_params = [{transform_indices = #map}, {transform_indices = #map1}, {transform_indices = #map1}, {transform_indices = #map1}, {transform_indices = #map2}, {transform_indices = #map}]} {
    %mul3A = arith.constant 2 : i32
    %mul3A_0 = arith.muli %arg1, %mul3A : i32
    %add3A = arith.addi %mul3A_0, %arg0 : i32
    %mul3A_1 = arith.constant 2048 : i32
    %mul3A_2 = arith.muli %add3A, %mul3A_1 : i32
    %mul3A_3 = arith.constant 32 : i32
    %mul3A_4 = arith.muli %add3A, %mul3A_3 : i32
    "tpu.region"() ({
      %run_scoped3A = tpu.sem_alloc : memref<!tpu.dma_semaphore, #tpu.memory_space<semaphore_mem>>
      %dma_start3A_291 = tpu.memref_slice %arg3[%mul3A_2] : memref<65536xi32, #tpu.memory_space<hbm>> -> memref<2048xi32, #tpu.memory_space<hbm>>
      %dma_start3A_292 = tpu.memref_slice %arg3[%mul3A_2] : memref<65536xi32, #tpu.memory_space<hbm>> -> memref<2048xi32, #tpu.memory_space<hbm>>
      tpu.enqueue_dma source(%dma_start3A_292 : memref<2048xi32, #tpu.memory_space<hbm>>) target(%arg8 : memref<2048xi32, #tpu.memory_space<vmem>>) target_semaphore(%run_scoped3A : memref<!tpu.dma_semaphore, #tpu.memory_space<semaphore_mem>>)
      %dma_wait3A_293 = tpu.memref_slice %arg3[%mul3A_2] : memref<65536xi32, #tpu.memory_space<hbm>> -> memref<2048xi32, #tpu.memory_space<hbm>>
      %dma_wait3A_294 = tpu.memref_slice %arg3[%mul3A_2] : memref<65536xi32, #tpu.memory_space<hbm>> -> memref<2048xi32, #tpu.memory_space<hbm>>
      tpu.wait_dma2 semaphore(%run_scoped3A : memref<!tpu.dma_semaphore, #tpu.memory_space<semaphore_mem>>) src(%dma_wait3A_294 : memref<2048xi32, #tpu.memory_space<hbm>>) dst(%arg8 : memref<2048xi32, #tpu.memory_space<vmem>>)
      tpu.yield
    }) : () -> ()
    "tpu.region"() ({
      %run_scoped3A = tpu.sem_alloc : memref<!tpu.dma_semaphore, #tpu.memory_space<semaphore_mem>>
      %dma_start3A_291 = tpu.memref_slice %arg4[%mul3A_2] : memref<65536xi32, #tpu.memory_space<hbm>> -> memref<2048xi32, #tpu.memory_space<hbm>>
      %dma_start3A_292 = tpu.memref_slice %arg4[%mul3A_2] : memref<65536xi32, #tpu.memory_space<hbm>> -> memref<2048xi32, #tpu.memory_space<hbm>>
      tpu.enqueue_dma source(%dma_start3A_292 : memref<2048xi32, #tpu.memory_space<hbm>>) target(%arg9 : memref<2048xi32, #tpu.memory_space<vmem>>) target_semaphore(%run_scoped3A : memref<!tpu.dma_semaphore, #tpu.memory_space<semaphore_mem>>)
      %dma_wait3A_293 = tpu.memref_slice %arg4[%mul3A_2] : memref<65536xi32, #tpu.memory_space<hbm>> -> memref<2048xi32, #tpu.memory_space<hbm>>
      %dma_wait3A_294 = tpu.memref_slice %arg4[%mul3A_2] : memref<65536xi32, #tpu.memory_space<hbm>> -> memref<2048xi32, #tpu.memory_space<hbm>>
      tpu.wait_dma2 semaphore(%run_scoped3A : memref<!tpu.dma_semaphore, #tpu.memory_space<semaphore_mem>>) src(%dma_wait3A_294 : memref<2048xi32, #tpu.memory_space<hbm>>) dst(%arg9 : memref<2048xi32, #tpu.memory_space<vmem>>)
      tpu.yield
    }) : () -> ()
    "tpu.region"() ({
      %run_scoped3A = tpu.sem_alloc : memref<!tpu.dma_semaphore, #tpu.memory_space<semaphore_mem>>
      tpu.enqueue_dma source(%arg5 : memref<1000xf32, #tpu.memory_space<hbm>>) target(%arg10 : memref<1000xf32, #tpu.memory_space<vmem>>) target_semaphore(%run_scoped3A : memref<!tpu.dma_semaphore, #tpu.memory_space<semaphore_mem>>)
      tpu.wait_dma2 semaphore(%run_scoped3A : memref<!tpu.dma_semaphore, #tpu.memory_space<semaphore_mem>>) src(%arg5 : memref<1000xf32, #tpu.memory_space<hbm>>) dst(%arg10 : memref<1000xf32, #tpu.memory_space<vmem>>)
      tpu.yield
    }) : () -> ()
    %iota3A = tpu.iota {dimensions = array<i32: 0>} : vector<16xi32>
    %lt3A = arith.constant 2 : i32
    %lt3A_5 = vector.broadcast %lt3A : i32 to vector<16xi32>
    %lt3A_6 = arith.cmpi slt, %iota3A, %lt3A_5 : vector<16xi32>
    %convert_element_type3A = arith.extui %lt3A_6 : vector<16xi1> to vector<16xi32>
    %convert_element_type3A_7 = arith.sitofp %convert_element_type3A : vector<16xi32> to vector<16xf32>
    %add3A_8 = arith.constant 48 : i32
    %add3A_9 = vector.broadcast %add3A_8 : i32 to vector<16xi32>
    %add3A_10 = arith.addi %iota3A, %add3A_9 : vector<16xi32>
    %min3A = arith.constant 49 : i32
    %min3A_11 = vector.broadcast %min3A : i32 to vector<16xi32>
    %min3A_12 = arith.minsi %add3A_10, %min3A_11 : vector<16xi32>
    %broadcast_in_dim3A = arith.constant 0.000000e+00 : f32
    %broadcast_in_dim3A_13 = vector.broadcast %broadcast_in_dim3A : f32 to vector<16xf32>
    %dma_start3A = arith.constant 0 : i32
    %dma_start3A_14 = tpu.memref_slice %arg8[%dma_start3A] : memref<2048xi32, #tpu.memory_space<vmem>> -> memref<50xi32, #tpu.memory_space<vmem>>
    %dma_start3A_15 = arith.constant 0 : i32
    %dma_start3A_16 = arith.constant 0 : i32
    %dma_start3A_17 = tpu.memref_slice %arg2[%dma_start3A_15, %dma_start3A_16] : memref<1000x1000xf32, #tpu.memory_space<hbm>> -> memref<1000x1000xf32, #tpu.memory_space<hbm>>
    tpu.enqueue_indirect_dma source(%dma_start3A_17 : memref<1000x1000xf32, #tpu.memory_space<hbm>>) target(%arg11 : memref<50x1000xf32, #tpu.memory_space<vmem>>) offsets(%dma_start3A_14 : memref<50xi32, #tpu.memory_space<vmem>>) semaphore(%arg14 : memref<!tpu.dma_semaphore, #tpu.memory_space<semaphore_mem>>)
    %dma_start3A_18 = arith.constant 64 : i32
    %dma_start3A_19 = tpu.memref_slice %arg8[%dma_start3A_18] : memref<2048xi32, #tpu.memory_space<vmem>> -> memref<50xi32, #tpu.memory_space<vmem>>
    %dma_start3A_20 = arith.constant 0 : i32
    %dma_start3A_21 = arith.constant 0 : i32
    %dma_start3A_22 = tpu.memref_slice %arg2[%dma_start3A_20, %dma_start3A_21] : memref<1000x1000xf32, #tpu.memory_space<hbm>> -> memref<1000x1000xf32, #tpu.memory_space<hbm>>
    tpu.enqueue_indirect_dma source(%dma_start3A_22 : memref<1000x1000xf32, #tpu.memory_space<hbm>>) target(%arg12 : memref<50x1000xf32, #tpu.memory_space<vmem>>) offsets(%dma_start3A_19 : memref<50xi32, #tpu.memory_space<vmem>>) semaphore(%arg15 : memref<!tpu.dma_semaphore, #tpu.memory_space<semaphore_mem>>)
    %dma_wait3A = arith.constant 0 : i32
    %dma_wait3A_23 = tpu.memref_slice %arg8[%dma_wait3A] : memref<2048xi32, #tpu.memory_space<vmem>> -> memref<50xi32, #tpu.memory_space<vmem>>
    %dma_wait3A_24 = arith.constant 0 : i32
    %dma_wait3A_25 = arith.constant 0 : i32
    %dma_wait3A_26 = tpu.memref_slice %arg2[%dma_wait3A_24, %dma_wait3A_25] : memref<1000x1000xf32, #tpu.memory_space<hbm>> -> memref<1000x1000xf32, #tpu.memory_space<hbm>>
    tpu.wait_indirect_dma semaphore(%arg14 : memref<!tpu.dma_semaphore, #tpu.memory_space<semaphore_mem>>) src(%dma_wait3A_26 : memref<1000x1000xf32, #tpu.memory_space<hbm>>) dst(%arg11 : memref<50x1000xf32, #tpu.memory_space<vmem>>)
    %add3A_27 = arith.constant 0 : i32
    %add3A_28 = arith.addi %mul3A_4, %add3A_27 : i32
    %dma_start3A_29 = arith.constant 0 : i32
    %dma_start3A_30 = arith.constant 0 : i32
    %dma_start3A_31 = tpu.memref_slice %arg6[%add3A_28, %dma_start3A_29, %dma_start3A_30] : memref<1024x50x1000xf32, #tpu.memory_space<hbm>> -> memref<1x50x1000xf32, #tpu.memory_space<hbm>>
    %dma_start3A_32 = tpu.memref_squeeze %dma_start3A_31 : memref<1x50x1000xf32, #tpu.memory_space<hbm>> -> memref<50x1000xf32, #tpu.memory_space<hbm>>
    %dma_start3A_33 = arith.constant 0 : i32
    %dma_start3A_34 = arith.constant 0 : i32
    %dma_start3A_35 = tpu.memref_slice %arg6[%add3A_28, %dma_start3A_33, %dma_start3A_34] : memref<1024x50x1000xf32, #tpu.memory_space<hbm>> -> memref<1x50x1000xf32, #tpu.memory_space<hbm>>
    %dma_start3A_36 = tpu.memref_squeeze %dma_start3A_35 : memref<1x50x1000xf32, #tpu.memory_space<hbm>> -> memref<50x1000xf32, #tpu.memory_space<hbm>>
    tpu.enqueue_dma source(%arg11 : memref<50x1000xf32, #tpu.memory_space<vmem>>) target(%dma_start3A_36 : memref<50x1000xf32, #tpu.memory_space<hbm>>) target_semaphore(%arg16 : memref<!tpu.dma_semaphore, #tpu.memory_space<semaphore_mem>>)
    %add3A_37 = arith.constant 16 : i32
    %add3A_38 = vector.broadcast %add3A_37 : i32 to vector<16xi32>
    %add3A_39 = arith.addi %iota3A, %add3A_38 : vector<16xi32>
    %add3A_40 = arith.constant 32 : i32
    %add3A_41 = vector.broadcast %add3A_40 : i32 to vector<16xi32>
    %add3A_42 = arith.addi %iota3A, %add3A_41 : vector<16xi32>
    %get3A = arith.constant 0 : index
    %get3A_43 = tpu.vector_load %arg8[%get3A] {strides = array<i32>} : memref<2048xi32, #tpu.memory_space<vmem>>, vector<16xi32>,
    %get3A_44 = arith.constant 0 : index
    %get3A_45 = tpu.vector_load %arg9[%get3A_44] {strides = array<i32>} : memref<2048xi32, #tpu.memory_space<vmem>>, vector<16xi32>,
    %gather3A = tpu.vector_load_idx %arg11[%iota3A, %get3A_45] : memref<50x1000xf32, #tpu.memory_space<vmem>>[vector<16xi32>, vector<16xi32>], vector<16xf32>,
    %gather3A_46 = tpu.vector_load_idx %arg10[%get3A_43] : memref<1000xf32, #tpu.memory_space<vmem>>[vector<16xi32>], vector<16xf32>,
    %sub3A = arith.subf %gather3A_46, %gather3A : vector<16xf32>
    %add3A_47 = arith.addf %broadcast_in_dim3A_13, %sub3A : vector<16xf32>
    %get3A_48 = arith.constant 16 : index
    %get3A_49 = tpu.vector_load %arg8[%get3A_48] {strides = array<i32>} : memref<2048xi32, #tpu.memory_space<vmem>>, vector<16xi32>,
    %get3A_50 = arith.constant 16 : index
    %get3A_51 = tpu.vector_load %arg9[%get3A_50] {strides = array<i32>} : memref<2048xi32, #tpu.memory_space<vmem>>, vector<16xi32>,
    %gather3A_52 = tpu.vector_load_idx %arg11[%add3A_39, %get3A_51] : memref<50x1000xf32, #tpu.memory_space<vmem>>[vector<16xi32>, vector<16xi32>], vector<16xf32>,
    %gather3A_53 = tpu.vector_load_idx %arg10[%get3A_49] : memref<1000xf32, #tpu.memory_space<vmem>>[vector<16xi32>], vector<16xf32>,
    %sub3A_54 = arith.subf %gather3A_53, %gather3A_52 : vector<16xf32>
    %add3A_55 = arith.addf %add3A_47, %sub3A_54 : vector<16xf32>
    %get3A_56 = arith.constant 32 : index
    %get3A_57 = tpu.vector_load %arg8[%get3A_56] {strides = array<i32>} : memref<2048xi32, #tpu.memory_space<vmem>>, vector<16xi32>,
    %get3A_58 = arith.constant 32 : index
    %get3A_59 = tpu.vector_load %arg9[%get3A_58] {strides = array<i32>} : memref<2048xi32, #tpu.memory_space<vmem>>, vector<16xi32>,
    %gather3A_60 = tpu.vector_load_idx %arg11[%add3A_42, %get3A_59] : memref<50x1000xf32, #tpu.memory_space<vmem>>[vector<16xi32>, vector<16xi32>], vector<16xf32>,
    %gather3A_61 = tpu.vector_load_idx %arg10[%get3A_57] : memref<1000xf32, #tpu.memory_space<vmem>>[vector<16xi32>], vector<16xf32>,
    %sub3A_62 = arith.subf %gather3A_61, %gather3A_60 : vector<16xf32>
    %add3A_63 = arith.addf %add3A_55, %sub3A_62 : vector<16xf32>
    %get3A_64 = arith.constant 48 : index
    %get3A_65 = tpu.vector_load %arg8[%get3A_64] {strides = array<i32>} : memref<2048xi32, #tpu.memory_space<vmem>>, vector<16xi32>,
    %get3A_66 = arith.constant 48 : index
    %get3A_67 = tpu.vector_load %arg9[%get3A_66] {strides = array<i32>} : memref<2048xi32, #tpu.memory_space<vmem>>, vector<16xi32>,
    %gather3A_68 = tpu.vector_load_idx %arg11[%min3A_12, %get3A_67] : memref<50x1000xf32, #tpu.memory_space<vmem>>[vector<16xi32>, vector<16xi32>], vector<16xf32>,
    %gather3A_69 = tpu.vector_load_idx %arg10[%get3A_65] : memref<1000xf32, #tpu.memory_space<vmem>>[vector<16xi32>], vector<16xf32>,
    %sub3A_70 = arith.subf %gather3A_69, %gather3A_68 : vector<16xf32>
    %mul3A_71 = arith.mulf %sub3A_70, %convert_element_type3A_7 : vector<16xf32>
    %add3A_72 = arith.addf %add3A_63, %mul3A_71 : vector<16xf32>
    %add3A_73 = arith.constant 0 : i32
    %add3A_74 = arith.addi %mul3A_4, %add3A_73 : i32
    %dma_wait3A_75 = arith.constant 0 : i32
    %dma_wait3A_76 = arith.constant 0 : i32
    %dma_wait3A_77 = tpu.memref_slice %arg6[%add3A_74, %dma_wait3A_75, %dma_wait3A_76] : memref<1024x50x1000xf32, #tpu.memory_space<hbm>> -> memref<1x50x1000xf32, #tpu.memory_space<hbm>>
    %dma_wait3A_78 = tpu.memref_squeeze %dma_wait3A_77 : memref<1x50x1000xf32, #tpu.memory_space<hbm>> -> memref<50x1000xf32, #tpu.memory_space<hbm>>
    %dma_wait3A_79 = arith.constant 0 : i32
    %dma_wait3A_80 = arith.constant 0 : i32
    %dma_wait3A_81 = tpu.memref_slice %arg6[%add3A_74, %dma_wait3A_79, %dma_wait3A_80] : memref<1024x50x1000xf32, #tpu.memory_space<hbm>> -> memref<1x50x1000xf32, #tpu.memory_space<hbm>>
    %dma_wait3A_82 = tpu.memref_squeeze %dma_wait3A_81 : memref<1x50x1000xf32, #tpu.memory_space<hbm>> -> memref<50x1000xf32, #tpu.memory_space<hbm>>
    tpu.wait_dma2 semaphore(%arg16 : memref<!tpu.dma_semaphore, #tpu.memory_space<semaphore_mem>>) src(%arg11 : memref<50x1000xf32, #tpu.memory_space<vmem>>) dst(%dma_wait3A_82 : memref<50x1000xf32, #tpu.memory_space<hbm>>)
    %dma_start3A_83 = arith.constant 128 : i32
    %dma_start3A_84 = tpu.memref_slice %arg8[%dma_start3A_83] : memref<2048xi32, #tpu.memory_space<vmem>> -> memref<50xi32, #tpu.memory_space<vmem>>
    %dma_start3A_85 = arith.constant 0 : i32
    %dma_start3A_86 = arith.constant 0 : i32
    %dma_start3A_87 = tpu.memref_slice %arg2[%dma_start3A_85, %dma_start3A_86] : memref<1000x1000xf32, #tpu.memory_space<hbm>> -> memref<1000x1000xf32, #tpu.memory_space<hbm>>
    tpu.enqueue_indirect_dma source(%dma_start3A_87 : memref<1000x1000xf32, #tpu.memory_space<hbm>>) target(%arg11 : memref<50x1000xf32, #tpu.memory_space<vmem>>) offsets(%dma_start3A_84 : memref<50xi32, #tpu.memory_space<vmem>>) semaphore(%arg14 : memref<!tpu.dma_semaphore, #tpu.memory_space<semaphore_mem>>)
    %dma_wait3A_88 = arith.constant 64 : i32
    %dma_wait3A_89 = tpu.memref_slice %arg8[%dma_wait3A_88] : memref<2048xi32, #tpu.memory_space<vmem>> -> memref<50xi32, #tpu.memory_space<vmem>>
    %dma_wait3A_90 = arith.constant 0 : i32
    %dma_wait3A_91 = arith.constant 0 : i32
    %dma_wait3A_92 = tpu.memref_slice %arg2[%dma_wait3A_90, %dma_wait3A_91] : memref<1000x1000xf32, #tpu.memory_space<hbm>> -> memref<1000x1000xf32, #tpu.memory_space<hbm>>
    tpu.wait_indirect_dma semaphore(%arg15 : memref<!tpu.dma_semaphore, #tpu.memory_space<semaphore_mem>>) src(%dma_wait3A_92 : memref<1000x1000xf32, #tpu.memory_space<hbm>>) dst(%arg12 : memref<50x1000xf32, #tpu.memory_space<vmem>>)
    %add3A_93 = arith.constant 1 : i32
    %add3A_94 = arith.addi %mul3A_4, %add3A_93 : i32
    %dma_start3A_95 = arith.constant 0 : i32
    %dma_start3A_96 = arith.constant 0 : i32
    %dma_start3A_97 = tpu.memref_slice %arg6[%add3A_94, %dma_start3A_95, %dma_start3A_96] : memref<1024x50x1000xf32, #tpu.memory_space<hbm>> -> memref<1x50x1000xf32, #tpu.memory_space<hbm>>
    %dma_start3A_98 = tpu.memref_squeeze %dma_start3A_97 : memref<1x50x1000xf32, #tpu.memory_space<hbm>> -> memref<50x1000xf32, #tpu.memory_space<hbm>>
    %dma_start3A_99 = arith.constant 0 : i32
    %dma_start3A_100 = arith.constant 0 : i32
    %dma_start3A_101 = tpu.memref_slice %arg6[%add3A_94, %dma_start3A_99, %dma_start3A_100] : memref<1024x50x1000xf32, #tpu.memory_space<hbm>> -> memref<1x50x1000xf32, #tpu.memory_space<hbm>>
    %dma_start3A_102 = tpu.memref_squeeze %dma_start3A_101 : memref<1x50x1000xf32, #tpu.memory_space<hbm>> -> memref<50x1000xf32, #tpu.memory_space<hbm>>
    tpu.enqueue_dma source(%arg12 : memref<50x1000xf32, #tpu.memory_space<vmem>>) target(%dma_start3A_102 : memref<50x1000xf32, #tpu.memory_space<hbm>>) target_semaphore(%arg17 : memref<!tpu.dma_semaphore, #tpu.memory_space<semaphore_mem>>)
    %add3A_103 = arith.constant 16 : i32
    %add3A_104 = vector.broadcast %add3A_103 : i32 to vector<16xi32>
    %add3A_105 = arith.addi %iota3A, %add3A_104 : vector<16xi32>
    %add3A_106 = arith.constant 32 : i32
    %add3A_107 = vector.broadcast %add3A_106 : i32 to vector<16xi32>
    %add3A_108 = arith.addi %iota3A, %add3A_107 : vector<16xi32>
    %get3A_109 = arith.constant 64 : index
    %get3A_110 = tpu.vector_load %arg8[%get3A_109] {strides = array<i32>} : memref<2048xi32, #tpu.memory_space<vmem>>, vector<16xi32>,
    %get3A_111 = arith.constant 64 : index
    %get3A_112 = tpu.vector_load %arg9[%get3A_111] {strides = array<i32>} : memref<2048xi32, #tpu.memory_space<vmem>>, vector<16xi32>,
    %gather3A_113 = tpu.vector_load_idx %arg12[%iota3A, %get3A_112] : memref<50x1000xf32, #tpu.memory_space<vmem>>[vector<16xi32>, vector<16xi32>], vector<16xf32>,
    %gather3A_114 = tpu.vector_load_idx %arg10[%get3A_110] : memref<1000xf32, #tpu.memory_space<vmem>>[vector<16xi32>], vector<16xf32>,
    %sub3A_115 = arith.subf %gather3A_114, %gather3A_113 : vector<16xf32>
    %add3A_116 = arith.addf %add3A_72, %sub3A_115 : vector<16xf32>
    %get3A_117 = arith.constant 80 : index
    %get3A_118 = tpu.vector_load %arg8[%get3A_117] {strides = array<i32>} : memref<2048xi32, #tpu.memory_space<vmem>>, vector<16xi32>,
    %get3A_119 = arith.constant 80 : index
    %get3A_120 = tpu.vector_load %arg9[%get3A_119] {strides = array<i32>} : memref<2048xi32, #tpu.memory_space<vmem>>, vector<16xi32>,
    %gather3A_121 = tpu.vector_load_idx %arg12[%add3A_105, %get3A_120] : memref<50x1000xf32, #tpu.memory_space<vmem>>[vector<16xi32>, vector<16xi32>], vector<16xf32>,
    %gather3A_122 = tpu.vector_load_idx %arg10[%get3A_118] : memref<1000xf32, #tpu.memory_space<vmem>>[vector<16xi32>], vector<16xf32>,
    %sub3A_123 = arith.subf %gather3A_122, %gather3A_121 : vector<16xf32>
    %add3A_124 = arith.addf %add3A_116, %sub3A_123 : vector<16xf32>
    %get3A_125 = arith.constant 96 : index
    %get3A_126 = tpu.vector_load %arg8[%get3A_125] {strides = array<i32>} : memref<2048xi32, #tpu.memory_space<vmem>>, vector<16xi32>,
    %get3A_127 = arith.constant 96 : index
    %get3A_128 = tpu.vector_load %arg9[%get3A_127] {strides = array<i32>} : memref<2048xi32, #tpu.memory_space<vmem>>, vector<16xi32>,
    %gather3A_129 = tpu.vector_load_idx %arg12[%add3A_108, %get3A_128] : memref<50x1000xf32, #tpu.memory_space<vmem>>[vector<16xi32>, vector<16xi32>], vector<16xf32>,
    %gather3A_130 = tpu.vector_load_idx %arg10[%get3A_126] : memref<1000xf32, #tpu.memory_space<vmem>>[vector<16xi32>], vector<16xf32>,
    %sub3A_131 = arith.subf %gather3A_130, %gather3A_129 : vector<16xf32>
    %add3A_132 = arith.addf %add3A_124, %sub3A_131 : vector<16xf32>
    %get3A_133 = arith.constant 112 : index
    %get3A_134 = tpu.vector_load %arg8[%get3A_133] {strides = array<i32>} : memref<2048xi32, #tpu.memory_space<vmem>>, vector<16xi32>,
    %get3A_135 = arith.constant 112 : index
    %get3A_136 = tpu.vector_load %arg9[%get3A_135] {strides = array<i32>} : memref<2048xi32, #tpu.memory_space<vmem>>, vector<16xi32>,
    %gather3A_137 = tpu.vector_load_idx %arg12[%min3A_12, %get3A_136] : memref<50x1000xf32, #tpu.memory_space<vmem>>[vector<16xi32>, vector<16xi32>], vector<16xf32>,
    %gather3A_138 = tpu.vector_load_idx %arg10[%get3A_134] : memref<1000xf32, #tpu.memory_space<vmem>>[vector<16xi32>], vector<16xf32>,
    %sub3A_139 = arith.subf %gather3A_138, %gather3A_137 : vector<16xf32>
    %mul3A_140 = arith.mulf %sub3A_139, %convert_element_type3A_7 : vector<16xf32>
    %add3A_141 = arith.addf %add3A_132, %mul3A_140 : vector<16xf32>
    %scan3A = arith.constant 1 : i32
    %scan3A_142 = arith.constant 14 : i32
    %scan3A_143 = arith.addi %scan3A, %scan3A_142 : i32
    %scan3A_144 = arith.constant 1 : i32
    %scan3A_145 = scf.for %scan3A_291 = %scan3A to %scan3A_143 step %scan3A_144 iter_args(%scan3A_292 = %add3A_141) -> (vector<16xf32>)  : i32 {
      %mul3A_293 = arith.constant 2 : i32
      %mul3A_294 = arith.muli %mul3A_293, %scan3A_291 : i32
      %add3A_295 = arith.constant 0 : i32
      %add3A_296 = arith.addi %mul3A_294, %add3A_295 : i32
      %sub3A_297 = arith.constant 1 : i32
      %sub3A_298 = arith.subi %add3A_296, %sub3A_297 : i32
      %add3A_299 = arith.addi %mul3A_4, %sub3A_298 : i32
      %dma_wait3A_300 = arith.constant 0 : i32
      %dma_wait3A_301 = arith.constant 0 : i32
      %dma_wait3A_302 = tpu.memref_slice %arg6[%add3A_299, %dma_wait3A_300, %dma_wait3A_301] : memref<1024x50x1000xf32, #tpu.memory_space<hbm>> -> memref<1x50x1000xf32, #tpu.memory_space<hbm>>
      %dma_wait3A_303 = tpu.memref_squeeze %dma_wait3A_302 : memref<1x50x1000xf32, #tpu.memory_space<hbm>> -> memref<50x1000xf32, #tpu.memory_space<hbm>>
      %dma_wait3A_304 = arith.constant 0 : i32
      %dma_wait3A_305 = arith.constant 0 : i32
      %dma_wait3A_306 = tpu.memref_slice %arg6[%add3A_299, %dma_wait3A_304, %dma_wait3A_305] : memref<1024x50x1000xf32, #tpu.memory_space<hbm>> -> memref<1x50x1000xf32, #tpu.memory_space<hbm>>
      %dma_wait3A_307 = tpu.memref_squeeze %dma_wait3A_306 : memref<1x50x1000xf32, #tpu.memory_space<hbm>> -> memref<50x1000xf32, #tpu.memory_space<hbm>>
      tpu.wait_dma2 semaphore(%arg17 : memref<!tpu.dma_semaphore, #tpu.memory_space<semaphore_mem>>) src(%arg12 : memref<50x1000xf32, #tpu.memory_space<vmem>>) dst(%dma_wait3A_307 : memref<50x1000xf32, #tpu.memory_space<hbm>>)
      %add3A_308 = arith.constant 1 : i32
      %add3A_309 = arith.addi %add3A_296, %add3A_308 : i32
      %mul3A_310 = arith.constant 64 : i32
      %mul3A_311 = arith.muli %add3A_309, %mul3A_310 : i32
      %dma_start3A_312 = tpu.memref_slice %arg8[%mul3A_311] : memref<2048xi32, #tpu.memory_space<vmem>> -> memref<50xi32, #tpu.memory_space<vmem>>
      %dma_start3A_313 = arith.constant 0 : i32
      %dma_start3A_314 = arith.constant 0 : i32
      %dma_start3A_315 = tpu.memref_slice %arg2[%dma_start3A_313, %dma_start3A_314] : memref<1000x1000xf32, #tpu.memory_space<hbm>> -> memref<1000x1000xf32, #tpu.memory_space<hbm>>
      tpu.enqueue_indirect_dma source(%dma_start3A_315 : memref<1000x1000xf32, #tpu.memory_space<hbm>>) target(%arg12 : memref<50x1000xf32, #tpu.memory_space<vmem>>) offsets(%dma_start3A_312 : memref<50xi32, #tpu.memory_space<vmem>>) semaphore(%arg15 : memref<!tpu.dma_semaphore, #tpu.memory_space<semaphore_mem>>)
      %mul3A_316 = arith.constant 64 : i32
      %mul3A_317 = arith.muli %add3A_296, %mul3A_316 : i32
      %dma_wait3A_318 = tpu.memref_slice %arg8[%mul3A_317] : memref<2048xi32, #tpu.memory_space<vmem>> -> memref<50xi32, #tpu.memory_space<vmem>>
      %dma_wait3A_319 = arith.constant 0 : i32
      %dma_wait3A_320 = arith.constant 0 : i32
      %dma_wait3A_321 = tpu.memref_slice %arg2[%dma_wait3A_319, %dma_wait3A_320] : memref<1000x1000xf32, #tpu.memory_space<hbm>> -> memref<1000x1000xf32, #tpu.memory_space<hbm>>
      tpu.wait_indirect_dma semaphore(%arg14 : memref<!tpu.dma_semaphore, #tpu.memory_space<semaphore_mem>>) src(%dma_wait3A_321 : memref<1000x1000xf32, #tpu.memory_space<hbm>>) dst(%arg11 : memref<50x1000xf32, #tpu.memory_space<vmem>>)
      %add3A_322 = arith.addi %mul3A_4, %add3A_296 : i32
      %dma_start3A_323 = arith.constant 0 : i32
      %dma_start3A_324 = arith.constant 0 : i32
      %dma_start3A_325 = tpu.memref_slice %arg6[%add3A_322, %dma_start3A_323, %dma_start3A_324] : memref<1024x50x1000xf32, #tpu.memory_space<hbm>> -> memref<1x50x1000xf32, #tpu.memory_space<hbm>>
      %dma_start3A_326 = tpu.memref_squeeze %dma_start3A_325 : memref<1x50x1000xf32, #tpu.memory_space<hbm>> -> memref<50x1000xf32, #tpu.memory_space<hbm>>
      %dma_start3A_327 = arith.constant 0 : i32
      %dma_start3A_328 = arith.constant 0 : i32
      %dma_start3A_329 = tpu.memref_slice %arg6[%add3A_322, %dma_start3A_327, %dma_start3A_328] : memref<1024x50x1000xf32, #tpu.memory_space<hbm>> -> memref<1x50x1000xf32, #tpu.memory_space<hbm>>
      %dma_start3A_330 = tpu.memref_squeeze %dma_start3A_329 : memref<1x50x1000xf32, #tpu.memory_space<hbm>> -> memref<50x1000xf32, #tpu.memory_space<hbm>>
      tpu.enqueue_dma source(%arg11 : memref<50x1000xf32, #tpu.memory_space<vmem>>) target(%dma_start3A_330 : memref<50x1000xf32, #tpu.memory_space<hbm>>) target_semaphore(%arg16 : memref<!tpu.dma_semaphore, #tpu.memory_space<semaphore_mem>>)
      %mul3A_331 = arith.constant 64 : i32
      %mul3A_332 = arith.muli %add3A_296, %mul3A_331 : i32
      %add3A_333 = arith.constant 16 : i32
      %add3A_334 = vector.broadcast %add3A_333 : i32 to vector<16xi32>
      %add3A_335 = arith.addi %iota3A, %add3A_334 : vector<16xi32>
      %add3A_336 = arith.constant 32 : i32
      %add3A_337 = vector.broadcast %add3A_336 : i32 to vector<16xi32>
      %add3A_338 = arith.addi %iota3A, %add3A_337 : vector<16xi32>
      %add3A_339 = arith.constant 0 : i32
      %add3A_340 = arith.addi %mul3A_332, %add3A_339 : i32
      %get3A_341 = arith.index_cast %add3A_340 : i32 to index
      %get3A_342 = tpu.vector_load %arg8[%get3A_341] {strides = array<i32>} : memref<2048xi32, #tpu.memory_space<vmem>>, vector<16xi32>,
      %get3A_343 = arith.index_cast %add3A_340 : i32 to index
      %get3A_344 = tpu.vector_load %arg9[%get3A_343] {strides = array<i32>} : memref<2048xi32, #tpu.memory_space<vmem>>, vector<16xi32>,
      %gather3A_345 = tpu.vector_load_idx %arg11[%iota3A, %get3A_344] : memref<50x1000xf32, #tpu.memory_space<vmem>>[vector<16xi32>, vector<16xi32>], vector<16xf32>,
      %gather3A_346 = tpu.vector_load_idx %arg10[%get3A_342] : memref<1000xf32, #tpu.memory_space<vmem>>[vector<16xi32>], vector<16xf32>,
      %sub3A_347 = arith.subf %gather3A_346, %gather3A_345 : vector<16xf32>
      %add3A_348 = arith.addf %scan3A_292, %sub3A_347 : vector<16xf32>
      %add3A_349 = arith.constant 16 : i32
      %add3A_350 = arith.addi %mul3A_332, %add3A_349 : i32
      %get3A_351 = arith.index_cast %add3A_350 : i32 to index
      %get3A_352 = tpu.vector_load %arg8[%get3A_351] {strides = array<i32>} : memref<2048xi32, #tpu.memory_space<vmem>>, vector<16xi32>,
      %get3A_353 = arith.index_cast %add3A_350 : i32 to index
      %get3A_354 = tpu.vector_load %arg9[%get3A_353] {strides = array<i32>} : memref<2048xi32, #tpu.memory_space<vmem>>, vector<16xi32>,
      %gather3A_355 = tpu.vector_load_idx %arg11[%add3A_335, %get3A_354] : memref<50x1000xf32, #tpu.memory_space<vmem>>[vector<16xi32>, vector<16xi32>], vector<16xf32>,
      %gather3A_356 = tpu.vector_load_idx %arg10[%get3A_352] : memref<1000xf32, #tpu.memory_space<vmem>>[vector<16xi32>], vector<16xf32>,
      %sub3A_357 = arith.subf %gather3A_356, %gather3A_355 : vector<16xf32>
      %add3A_358 = arith.addf %add3A_348, %sub3A_357 : vector<16xf32>
      %add3A_359 = arith.constant 32 : i32
      %add3A_360 = arith.addi %mul3A_332, %add3A_359 : i32
      %get3A_361 = arith.index_cast %add3A_360 : i32 to index
      %get3A_362 = tpu.vector_load %arg8[%get3A_361] {strides = array<i32>} : memref<2048xi32, #tpu.memory_space<vmem>>, vector<16xi32>,
      %get3A_363 = arith.index_cast %add3A_360 : i32 to index
      %get3A_364 = tpu.vector_load %arg9[%get3A_363] {strides = array<i32>} : memref<2048xi32, #tpu.memory_space<vmem>>, vector<16xi32>,
      %gather3A_365 = tpu.vector_load_idx %arg11[%add3A_338, %get3A_364] : memref<50x1000xf32, #tpu.memory_space<vmem>>[vector<16xi32>, vector<16xi32>], vector<16xf32>,
      %gather3A_366 = tpu.vector_load_idx %arg10[%get3A_362] : memref<1000xf32, #tpu.memory_space<vmem>>[vector<16xi32>], vector<16xf32>,
      %sub3A_367 = arith.subf %gather3A_366, %gather3A_365 : vector<16xf32>
      %add3A_368 = arith.addf %add3A_358, %sub3A_367 : vector<16xf32>
      %add3A_369 = arith.constant 48 : i32
      %add3A_370 = arith.addi %mul3A_332, %add3A_369 : i32
      %get3A_371 = arith.index_cast %add3A_370 : i32 to index
      %get3A_372 = tpu.vector_load %arg8[%get3A_371] {strides = array<i32>} : memref<2048xi32, #tpu.memory_space<vmem>>, vector<16xi32>,
      %get3A_373 = arith.index_cast %add3A_370 : i32 to index
      %get3A_374 = tpu.vector_load %arg9[%get3A_373] {strides = array<i32>} : memref<2048xi32, #tpu.memory_space<vmem>>, vector<16xi32>,
      %gather3A_375 = tpu.vector_load_idx %arg11[%min3A_12, %get3A_374] : memref<50x1000xf32, #tpu.memory_space<vmem>>[vector<16xi32>, vector<16xi32>], vector<16xf32>,
      %gather3A_376 = tpu.vector_load_idx %arg10[%get3A_372] : memref<1000xf32, #tpu.memory_space<vmem>>[vector<16xi32>], vector<16xf32>,
      %sub3A_377 = arith.subf %gather3A_376, %gather3A_375 : vector<16xf32>
      %mul3A_378 = arith.mulf %sub3A_377, %convert_element_type3A_7 : vector<16xf32>
      %add3A_379 = arith.addf %add3A_368, %mul3A_378 : vector<16xf32>
      %add3A_380 = arith.constant 1 : i32
      %add3A_381 = arith.addi %mul3A_294, %add3A_380 : i32
      %sub3A_382 = arith.constant 1 : i32
      %sub3A_383 = arith.subi %add3A_381, %sub3A_382 : i32
      %add3A_384 = arith.addi %mul3A_4, %sub3A_383 : i32
      %dma_wait3A_385 = arith.constant 0 : i32
      %dma_wait3A_386 = arith.constant 0 : i32
      %dma_wait3A_387 = tpu.memref_slice %arg6[%add3A_384, %dma_wait3A_385, %dma_wait3A_386] : memref<1024x50x1000xf32, #tpu.memory_space<hbm>> -> memref<1x50x1000xf32, #tpu.memory_space<hbm>>
      %dma_wait3A_388 = tpu.memref_squeeze %dma_wait3A_387 : memref<1x50x1000xf32, #tpu.memory_space<hbm>> -> memref<50x1000xf32, #tpu.memory_space<hbm>>
      %dma_wait3A_389 = arith.constant 0 : i32
      %dma_wait3A_390 = arith.constant 0 : i32
      %dma_wait3A_391 = tpu.memref_slice %arg6[%add3A_384, %dma_wait3A_389, %dma_wait3A_390] : memref<1024x50x1000xf32, #tpu.memory_space<hbm>> -> memref<1x50x1000xf32, #tpu.memory_space<hbm>>
      %dma_wait3A_392 = tpu.memref_squeeze %dma_wait3A_391 : memref<1x50x1000xf32, #tpu.memory_space<hbm>> -> memref<50x1000xf32, #tpu.memory_space<hbm>>
      tpu.wait_dma2 semaphore(%arg16 : memref<!tpu.dma_semaphore, #tpu.memory_space<semaphore_mem>>) src(%arg11 : memref<50x1000xf32, #tpu.memory_space<vmem>>) dst(%dma_wait3A_392 : memref<50x1000xf32, #tpu.memory_space<hbm>>)
      %add3A_393 = arith.constant 1 : i32
      %add3A_394 = arith.addi %add3A_381, %add3A_393 : i32
      %mul3A_395 = arith.constant 64 : i32
      %mul3A_396 = arith.muli %add3A_394, %mul3A_395 : i32
      %dma_start3A_397 = tpu.memref_slice %arg8[%mul3A_396] : memref<2048xi32, #tpu.memory_space<vmem>> -> memref<50xi32, #tpu.memory_space<vmem>>
      %dma_start3A_398 = arith.constant 0 : i32
      %dma_start3A_399 = arith.constant 0 : i32
      %dma_start3A_400 = tpu.memref_slice %arg2[%dma_start3A_398, %dma_start3A_399] : memref<1000x1000xf32, #tpu.memory_space<hbm>> -> memref<1000x1000xf32, #tpu.memory_space<hbm>>
      tpu.enqueue_indirect_dma source(%dma_start3A_400 : memref<1000x1000xf32, #tpu.memory_space<hbm>>) target(%arg11 : memref<50x1000xf32, #tpu.memory_space<vmem>>) offsets(%dma_start3A_397 : memref<50xi32, #tpu.memory_space<vmem>>) semaphore(%arg14 : memref<!tpu.dma_semaphore, #tpu.memory_space<semaphore_mem>>)
      %mul3A_401 = arith.constant 64 : i32
      %mul3A_402 = arith.muli %add3A_381, %mul3A_401 : i32
      %dma_wait3A_403 = tpu.memref_slice %arg8[%mul3A_402] : memref<2048xi32, #tpu.memory_space<vmem>> -> memref<50xi32, #tpu.memory_space<vmem>>
      %dma_wait3A_404 = arith.constant 0 : i32
      %dma_wait3A_405 = arith.constant 0 : i32
      %dma_wait3A_406 = tpu.memref_slice %arg2[%dma_wait3A_404, %dma_wait3A_405] : memref<1000x1000xf32, #tpu.memory_space<hbm>> -> memref<1000x1000xf32, #tpu.memory_space<hbm>>
      tpu.wait_indirect_dma semaphore(%arg15 : memref<!tpu.dma_semaphore, #tpu.memory_space<semaphore_mem>>) src(%dma_wait3A_406 : memref<1000x1000xf32, #tpu.memory_space<hbm>>) dst(%arg12 : memref<50x1000xf32, #tpu.memory_space<vmem>>)
      %add3A_407 = arith.addi %mul3A_4, %add3A_381 : i32
      %dma_start3A_408 = arith.constant 0 : i32
      %dma_start3A_409 = arith.constant 0 : i32
      %dma_start3A_410 = tpu.memref_slice %arg6[%add3A_407, %dma_start3A_408, %dma_start3A_409] : memref<1024x50x1000xf32, #tpu.memory_space<hbm>> -> memref<1x50x1000xf32, #tpu.memory_space<hbm>>
      %dma_start3A_411 = tpu.memref_squeeze %dma_start3A_410 : memref<1x50x1000xf32, #tpu.memory_space<hbm>> -> memref<50x1000xf32, #tpu.memory_space<hbm>>
      %dma_start3A_412 = arith.constant 0 : i32
      %dma_start3A_413 = arith.constant 0 : i32
      %dma_start3A_414 = tpu.memref_slice %arg6[%add3A_407, %dma_start3A_412, %dma_start3A_413] : memref<1024x50x1000xf32, #tpu.memory_space<hbm>> -> memref<1x50x1000xf32, #tpu.memory_space<hbm>>
      %dma_start3A_415 = tpu.memref_squeeze %dma_start3A_414 : memref<1x50x1000xf32, #tpu.memory_space<hbm>> -> memref<50x1000xf32, #tpu.memory_space<hbm>>
      tpu.enqueue_dma source(%arg12 : memref<50x1000xf32, #tpu.memory_space<vmem>>) target(%dma_start3A_415 : memref<50x1000xf32, #tpu.memory_space<hbm>>) target_semaphore(%arg17 : memref<!tpu.dma_semaphore, #tpu.memory_space<semaphore_mem>>)
      %mul3A_416 = arith.constant 64 : i32
      %mul3A_417 = arith.muli %add3A_381, %mul3A_416 : i32
      %add3A_418 = arith.constant 16 : i32
      %add3A_419 = vector.broadcast %add3A_418 : i32 to vector<16xi32>
      %add3A_420 = arith.addi %iota3A, %add3A_419 : vector<16xi32>
      %add3A_421 = arith.constant 32 : i32
      %add3A_422 = vector.broadcast %add3A_421 : i32 to vector<16xi32>
      %add3A_423 = arith.addi %iota3A, %add3A_422 : vector<16xi32>
      %add3A_424 = arith.constant 0 : i32
      %add3A_425 = arith.addi %mul3A_417, %add3A_424 : i32
      %get3A_426 = arith.index_cast %add3A_425 : i32 to index
      %get3A_427 = tpu.vector_load %arg8[%get3A_426] {strides = array<i32>} : memref<2048xi32, #tpu.memory_space<vmem>>, vector<16xi32>,
      %get3A_428 = arith.index_cast %add3A_425 : i32 to index
      %get3A_429 = tpu.vector_load %arg9[%get3A_428] {strides = array<i32>} : memref<2048xi32, #tpu.memory_space<vmem>>, vector<16xi32>,
      %gather3A_430 = tpu.vector_load_idx %arg12[%iota3A, %get3A_429] : memref<50x1000xf32, #tpu.memory_space<vmem>>[vector<16xi32>, vector<16xi32>], vector<16xf32>,
      %gather3A_431 = tpu.vector_load_idx %arg10[%get3A_427] : memref<1000xf32, #tpu.memory_space<vmem>>[vector<16xi32>], vector<16xf32>,
      %sub3A_432 = arith.subf %gather3A_431, %gather3A_430 : vector<16xf32>
      %add3A_433 = arith.addf %add3A_379, %sub3A_432 : vector<16xf32>
      %add3A_434 = arith.constant 16 : i32
      %add3A_435 = arith.addi %mul3A_417, %add3A_434 : i32
      %get3A_436 = arith.index_cast %add3A_435 : i32 to index
      %get3A_437 = tpu.vector_load %arg8[%get3A_436] {strides = array<i32>} : memref<2048xi32, #tpu.memory_space<vmem>>, vector<16xi32>,
      %get3A_438 = arith.index_cast %add3A_435 : i32 to index
      %get3A_439 = tpu.vector_load %arg9[%get3A_438] {strides = array<i32>} : memref<2048xi32, #tpu.memory_space<vmem>>, vector<16xi32>,
      %gather3A_440 = tpu.vector_load_idx %arg12[%add3A_420, %get3A_439] : memref<50x1000xf32, #tpu.memory_space<vmem>>[vector<16xi32>, vector<16xi32>], vector<16xf32>,
      %gather3A_441 = tpu.vector_load_idx %arg10[%get3A_437] : memref<1000xf32, #tpu.memory_space<vmem>>[vector<16xi32>], vector<16xf32>,
      %sub3A_442 = arith.subf %gather3A_441, %gather3A_440 : vector<16xf32>
      %add3A_443 = arith.addf %add3A_433, %sub3A_442 : vector<16xf32>
      %add3A_444 = arith.constant 32 : i32
      %add3A_445 = arith.addi %mul3A_417, %add3A_444 : i32
      %get3A_446 = arith.index_cast %add3A_445 : i32 to index
      %get3A_447 = tpu.vector_load %arg8[%get3A_446] {strides = array<i32>} : memref<2048xi32, #tpu.memory_space<vmem>>, vector<16xi32>,
      %get3A_448 = arith.index_cast %add3A_445 : i32 to index
      %get3A_449 = tpu.vector_load %arg9[%get3A_448] {strides = array<i32>} : memref<2048xi32, #tpu.memory_space<vmem>>, vector<16xi32>,
      %gather3A_450 = tpu.vector_load_idx %arg12[%add3A_423, %get3A_449] : memref<50x1000xf32, #tpu.memory_space<vmem>>[vector<16xi32>, vector<16xi32>], vector<16xf32>,
      %gather3A_451 = tpu.vector_load_idx %arg10[%get3A_447] : memref<1000xf32, #tpu.memory_space<vmem>>[vector<16xi32>], vector<16xf32>,
      %sub3A_452 = arith.subf %gather3A_451, %gather3A_450 : vector<16xf32>
      %add3A_453 = arith.addf %add3A_443, %sub3A_452 : vector<16xf32>
      %add3A_454 = arith.constant 48 : i32
      %add3A_455 = arith.addi %mul3A_417, %add3A_454 : i32
      %get3A_456 = arith.index_cast %add3A_455 : i32 to index
      %get3A_457 = tpu.vector_load %arg8[%get3A_456] {strides = array<i32>} : memref<2048xi32, #tpu.memory_space<vmem>>, vector<16xi32>,
      %get3A_458 = arith.index_cast %add3A_455 : i32 to index
      %get3A_459 = tpu.vector_load %arg9[%get3A_458] {strides = array<i32>} : memref<2048xi32, #tpu.memory_space<vmem>>, vector<16xi32>,
      %gather3A_460 = tpu.vector_load_idx %arg12[%min3A_12, %get3A_459] : memref<50x1000xf32, #tpu.memory_space<vmem>>[vector<16xi32>, vector<16xi32>], vector<16xf32>,
      %gather3A_461 = tpu.vector_load_idx %arg10[%get3A_457] : memref<1000xf32, #tpu.memory_space<vmem>>[vector<16xi32>], vector<16xf32>,
      %sub3A_462 = arith.subf %gather3A_461, %gather3A_460 : vector<16xf32>
      %mul3A_463 = arith.mulf %sub3A_462, %convert_element_type3A_7 : vector<16xf32>
      %add3A_464 = arith.addf %add3A_453, %mul3A_463 : vector<16xf32>
      scf.yield %add3A_464 : vector<16xf32>
    }
    %scan3A_146 = arith.constant 14 : i32
    %add3A_147 = arith.constant 29 : i32
    %add3A_148 = arith.addi %mul3A_4, %add3A_147 : i32
    %dma_wait3A_149 = arith.constant 0 : i32
    %dma_wait3A_150 = arith.constant 0 : i32
    %dma_wait3A_151 = tpu.memref_slice %arg6[%add3A_148, %dma_wait3A_149, %dma_wait3A_150] : memref<1024x50x1000xf32, #tpu.memory_space<hbm>> -> memref<1x50x1000xf32, #tpu.memory_space<hbm>>
    %dma_wait3A_152 = tpu.memref_squeeze %dma_wait3A_151 : memref<1x50x1000xf32, #tpu.memory_space<hbm>> -> memref<50x1000xf32, #tpu.memory_space<hbm>>
    %dma_wait3A_153 = arith.constant 0 : i32
    %dma_wait3A_154 = arith.constant 0 : i32
    %dma_wait3A_155 = tpu.memref_slice %arg6[%add3A_148, %dma_wait3A_153, %dma_wait3A_154] : memref<1024x50x1000xf32, #tpu.memory_space<hbm>> -> memref<1x50x1000xf32, #tpu.memory_space<hbm>>
    %dma_wait3A_156 = tpu.memref_squeeze %dma_wait3A_155 : memref<1x50x1000xf32, #tpu.memory_space<hbm>> -> memref<50x1000xf32, #tpu.memory_space<hbm>>
    tpu.wait_dma2 semaphore(%arg17 : memref<!tpu.dma_semaphore, #tpu.memory_space<semaphore_mem>>) src(%arg12 : memref<50x1000xf32, #tpu.memory_space<vmem>>) dst(%dma_wait3A_156 : memref<50x1000xf32, #tpu.memory_space<hbm>>)
    %dma_start3A_157 = arith.constant 1984 : i32
    %dma_start3A_158 = tpu.memref_slice %arg8[%dma_start3A_157] : memref<2048xi32, #tpu.memory_space<vmem>> -> memref<50xi32, #tpu.memory_space<vmem>>
    %dma_start3A_159 = arith.constant 0 : i32
    %dma_start3A_160 = arith.constant 0 : i32
    %dma_start3A_161 = tpu.memref_slice %arg2[%dma_start3A_159, %dma_start3A_160] : memref<1000x1000xf32, #tpu.memory_space<hbm>> -> memref<1000x1000xf32, #tpu.memory_space<hbm>>
    tpu.enqueue_indirect_dma source(%dma_start3A_161 : memref<1000x1000xf32, #tpu.memory_space<hbm>>) target(%arg12 : memref<50x1000xf32, #tpu.memory_space<vmem>>) offsets(%dma_start3A_158 : memref<50xi32, #tpu.memory_space<vmem>>) semaphore(%arg15 : memref<!tpu.dma_semaphore, #tpu.memory_space<semaphore_mem>>)
    %dma_wait3A_162 = arith.constant 1920 : i32
    %dma_wait3A_163 = tpu.memref_slice %arg8[%dma_wait3A_162] : memref<2048xi32, #tpu.memory_space<vmem>> -> memref<50xi32, #tpu.memory_space<vmem>>
    %dma_wait3A_164 = arith.constant 0 : i32
    %dma_wait3A_165 = arith.constant 0 : i32
    %dma_wait3A_166 = tpu.memref_slice %arg2[%dma_wait3A_164, %dma_wait3A_165] : memref<1000x1000xf32, #tpu.memory_space<hbm>> -> memref<1000x1000xf32, #tpu.memory_space<hbm>>
    tpu.wait_indirect_dma semaphore(%arg14 : memref<!tpu.dma_semaphore, #tpu.memory_space<semaphore_mem>>) src(%dma_wait3A_166 : memref<1000x1000xf32, #tpu.memory_space<hbm>>) dst(%arg11 : memref<50x1000xf32, #tpu.memory_space<vmem>>)
    %add3A_167 = arith.constant 30 : i32
    %add3A_168 = arith.addi %mul3A_4, %add3A_167 : i32
    %dma_start3A_169 = arith.constant 0 : i32
    %dma_start3A_170 = arith.constant 0 : i32
    %dma_start3A_171 = tpu.memref_slice %arg6[%add3A_168, %dma_start3A_169, %dma_start3A_170] : memref<1024x50x1000xf32, #tpu.memory_space<hbm>> -> memref<1x50x1000xf32, #tpu.memory_space<hbm>>
    %dma_start3A_172 = tpu.memref_squeeze %dma_start3A_171 : memref<1x50x1000xf32, #tpu.memory_space<hbm>> -> memref<50x1000xf32, #tpu.memory_space<hbm>>
    %dma_start3A_173 = arith.constant 0 : i32
    %dma_start3A_174 = arith.constant 0 : i32
    %dma_start3A_175 = tpu.memref_slice %arg6[%add3A_168, %dma_start3A_173, %dma_start3A_174] : memref<1024x50x1000xf32, #tpu.memory_space<hbm>> -> memref<1x50x1000xf32, #tpu.memory_space<hbm>>
    %dma_start3A_176 = tpu.memref_squeeze %dma_start3A_175 : memref<1x50x1000xf32, #tpu.memory_space<hbm>> -> memref<50x1000xf32, #tpu.memory_space<hbm>>
    tpu.enqueue_dma source(%arg11 : memref<50x1000xf32, #tpu.memory_space<vmem>>) target(%dma_start3A_176 : memref<50x1000xf32, #tpu.memory_space<hbm>>) target_semaphore(%arg16 : memref<!tpu.dma_semaphore, #tpu.memory_space<semaphore_mem>>)
    %add3A_177 = arith.constant 16 : i32
    %add3A_178 = vector.broadcast %add3A_177 : i32 to vector<16xi32>
    %add3A_179 = arith.addi %iota3A, %add3A_178 : vector<16xi32>
    %add3A_180 = arith.constant 32 : i32
    %add3A_181 = vector.broadcast %add3A_180 : i32 to vector<16xi32>
    %add3A_182 = arith.addi %iota3A, %add3A_181 : vector<16xi32>
    %get3A_183 = arith.constant 1920 : index
    %get3A_184 = tpu.vector_load %arg8[%get3A_183] {strides = array<i32>} : memref<2048xi32, #tpu.memory_space<vmem>>, vector<16xi32>,
    %get3A_185 = arith.constant 1920 : index
    %get3A_186 = tpu.vector_load %arg9[%get3A_185] {strides = array<i32>} : memref<2048xi32, #tpu.memory_space<vmem>>, vector<16xi32>,
    %gather3A_187 = tpu.vector_load_idx %arg11[%iota3A, %get3A_186] : memref<50x1000xf32, #tpu.memory_space<vmem>>[vector<16xi32>, vector<16xi32>], vector<16xf32>,
    %gather3A_188 = tpu.vector_load_idx %arg10[%get3A_184] : memref<1000xf32, #tpu.memory_space<vmem>>[vector<16xi32>], vector<16xf32>,
    %sub3A_189 = arith.subf %gather3A_188, %gather3A_187 : vector<16xf32>
    %add3A_190 = arith.addf %scan3A_145, %sub3A_189 : vector<16xf32>
    %get3A_191 = arith.constant 1936 : index
    %get3A_192 = tpu.vector_load %arg8[%get3A_191] {strides = array<i32>} : memref<2048xi32, #tpu.memory_space<vmem>>, vector<16xi32>,
    %get3A_193 = arith.constant 1936 : index
    %get3A_194 = tpu.vector_load %arg9[%get3A_193] {strides = array<i32>} : memref<2048xi32, #tpu.memory_space<vmem>>, vector<16xi32>,
    %gather3A_195 = tpu.vector_load_idx %arg11[%add3A_179, %get3A_194] : memref<50x1000xf32, #tpu.memory_space<vmem>>[vector<16xi32>, vector<16xi32>], vector<16xf32>,
    %gather3A_196 = tpu.vector_load_idx %arg10[%get3A_192] : memref<1000xf32, #tpu.memory_space<vmem>>[vector<16xi32>], vector<16xf32>,
    %sub3A_197 = arith.subf %gather3A_196, %gather3A_195 : vector<16xf32>
    %add3A_198 = arith.addf %add3A_190, %sub3A_197 : vector<16xf32>
    %get3A_199 = arith.constant 1952 : index
    %get3A_200 = tpu.vector_load %arg8[%get3A_199] {strides = array<i32>} : memref<2048xi32, #tpu.memory_space<vmem>>, vector<16xi32>,
    %get3A_201 = arith.constant 1952 : index
    %get3A_202 = tpu.vector_load %arg9[%get3A_201] {strides = array<i32>} : memref<2048xi32, #tpu.memory_space<vmem>>, vector<16xi32>,
    %gather3A_203 = tpu.vector_load_idx %arg11[%add3A_182, %get3A_202] : memref<50x1000xf32, #tpu.memory_space<vmem>>[vector<16xi32>, vector<16xi32>], vector<16xf32>,
    %gather3A_204 = tpu.vector_load_idx %arg10[%get3A_200] : memref<1000xf32, #tpu.memory_space<vmem>>[vector<16xi32>], vector<16xf32>,
    %sub3A_205 = arith.subf %gather3A_204, %gather3A_203 : vector<16xf32>
    %add3A_206 = arith.addf %add3A_198, %sub3A_205 : vector<16xf32>
    %get3A_207 = arith.constant 1968 : index
    %get3A_208 = tpu.vector_load %arg8[%get3A_207] {strides = array<i32>} : memref<2048xi32, #tpu.memory_space<vmem>>, vector<16xi32>,
    %get3A_209 = arith.constant 1968 : index
    %get3A_210 = tpu.vector_load %arg9[%get3A_209] {strides = array<i32>} : memref<2048xi32, #tpu.memory_space<vmem>>, vector<16xi32>,
    %gather3A_211 = tpu.vector_load_idx %arg11[%min3A_12, %get3A_210] : memref<50x1000xf32, #tpu.memory_space<vmem>>[vector<16xi32>, vector<16xi32>], vector<16xf32>,
    %gather3A_212 = tpu.vector_load_idx %arg10[%get3A_208] : memref<1000xf32, #tpu.memory_space<vmem>>[vector<16xi32>], vector<16xf32>,
    %sub3A_213 = arith.subf %gather3A_212, %gather3A_211 : vector<16xf32>
    %mul3A_214 = arith.mulf %sub3A_213, %convert_element_type3A_7 : vector<16xf32>
    %add3A_215 = arith.addf %add3A_206, %mul3A_214 : vector<16xf32>
    %dma_wait3A_216 = arith.constant 1984 : i32
    %dma_wait3A_217 = tpu.memref_slice %arg8[%dma_wait3A_216] : memref<2048xi32, #tpu.memory_space<vmem>> -> memref<50xi32, #tpu.memory_space<vmem>>
    %dma_wait3A_218 = arith.constant 0 : i32
    %dma_wait3A_219 = arith.constant 0 : i32
    %dma_wait3A_220 = tpu.memref_slice %arg2[%dma_wait3A_218, %dma_wait3A_219] : memref<1000x1000xf32, #tpu.memory_space<hbm>> -> memref<1000x1000xf32, #tpu.memory_space<hbm>>
    tpu.wait_indirect_dma semaphore(%arg15 : memref<!tpu.dma_semaphore, #tpu.memory_space<semaphore_mem>>) src(%dma_wait3A_220 : memref<1000x1000xf32, #tpu.memory_space<hbm>>) dst(%arg12 : memref<50x1000xf32, #tpu.memory_space<vmem>>)
    %add3A_221 = arith.constant 31 : i32
    %add3A_222 = arith.addi %mul3A_4, %add3A_221 : i32
    %dma_start3A_223 = arith.constant 0 : i32
    %dma_start3A_224 = arith.constant 0 : i32
    %dma_start3A_225 = tpu.memref_slice %arg6[%add3A_222, %dma_start3A_223, %dma_start3A_224] : memref<1024x50x1000xf32, #tpu.memory_space<hbm>> -> memref<1x50x1000xf32, #tpu.memory_space<hbm>>
    %dma_start3A_226 = tpu.memref_squeeze %dma_start3A_225 : memref<1x50x1000xf32, #tpu.memory_space<hbm>> -> memref<50x1000xf32, #tpu.memory_space<hbm>>
    %dma_start3A_227 = arith.constant 0 : i32
    %dma_start3A_228 = arith.constant 0 : i32
    %dma_start3A_229 = tpu.memref_slice %arg6[%add3A_222, %dma_start3A_227, %dma_start3A_228] : memref<1024x50x1000xf32, #tpu.memory_space<hbm>> -> memref<1x50x1000xf32, #tpu.memory_space<hbm>>
    %dma_start3A_230 = tpu.memref_squeeze %dma_start3A_229 : memref<1x50x1000xf32, #tpu.memory_space<hbm>> -> memref<50x1000xf32, #tpu.memory_space<hbm>>
    tpu.enqueue_dma source(%arg12 : memref<50x1000xf32, #tpu.memory_space<vmem>>) target(%dma_start3A_230 : memref<50x1000xf32, #tpu.memory_space<hbm>>) target_semaphore(%arg17 : memref<!tpu.dma_semaphore, #tpu.memory_space<semaphore_mem>>)
    %add3A_231 = arith.constant 16 : i32
    %add3A_232 = vector.broadcast %add3A_231 : i32 to vector<16xi32>
    %add3A_233 = arith.addi %iota3A, %add3A_232 : vector<16xi32>
    %add3A_234 = arith.constant 32 : i32
    %add3A_235 = vector.broadcast %add3A_234 : i32 to vector<16xi32>
    %add3A_236 = arith.addi %iota3A, %add3A_235 : vector<16xi32>
    %get3A_237 = arith.constant 1984 : index
    %get3A_238 = tpu.vector_load %arg8[%get3A_237] {strides = array<i32>} : memref<2048xi32, #tpu.memory_space<vmem>>, vector<16xi32>,
    %get3A_239 = arith.constant 1984 : index
    %get3A_240 = tpu.vector_load %arg9[%get3A_239] {strides = array<i32>} : memref<2048xi32, #tpu.memory_space<vmem>>, vector<16xi32>,
    %gather3A_241 = tpu.vector_load_idx %arg12[%iota3A, %get3A_240] : memref<50x1000xf32, #tpu.memory_space<vmem>>[vector<16xi32>, vector<16xi32>], vector<16xf32>,
    %gather3A_242 = tpu.vector_load_idx %arg10[%get3A_238] : memref<1000xf32, #tpu.memory_space<vmem>>[vector<16xi32>], vector<16xf32>,
    %sub3A_243 = arith.subf %gather3A_242, %gather3A_241 : vector<16xf32>
    %add3A_244 = arith.addf %add3A_215, %sub3A_243 : vector<16xf32>
    %get3A_245 = arith.constant 2000 : index
    %get3A_246 = tpu.vector_load %arg8[%get3A_245] {strides = array<i32>} : memref<2048xi32, #tpu.memory_space<vmem>>, vector<16xi32>,
    %get3A_247 = arith.constant 2000 : index
    %get3A_248 = tpu.vector_load %arg9[%get3A_247] {strides = array<i32>} : memref<2048xi32, #tpu.memory_space<vmem>>, vector<16xi32>,
    %gather3A_249 = tpu.vector_load_idx %arg12[%add3A_233, %get3A_248] : memref<50x1000xf32, #tpu.memory_space<vmem>>[vector<16xi32>, vector<16xi32>], vector<16xf32>,
    %gather3A_250 = tpu.vector_load_idx %arg10[%get3A_246] : memref<1000xf32, #tpu.memory_space<vmem>>[vector<16xi32>], vector<16xf32>,
    %sub3A_251 = arith.subf %gather3A_250, %gather3A_249 : vector<16xf32>
    %add3A_252 = arith.addf %add3A_244, %sub3A_251 : vector<16xf32>
    %get3A_253 = arith.constant 2016 : index
    %get3A_254 = tpu.vector_load %arg8[%get3A_253] {strides = array<i32>} : memref<2048xi32, #tpu.memory_space<vmem>>, vector<16xi32>,
    %get3A_255 = arith.constant 2016 : index
    %get3A_256 = tpu.vector_load %arg9[%get3A_255] {strides = array<i32>} : memref<2048xi32, #tpu.memory_space<vmem>>, vector<16xi32>,
    %gather3A_257 = tpu.vector_load_idx %arg12[%add3A_236, %get3A_256] : memref<50x1000xf32, #tpu.memory_space<vmem>>[vector<16xi32>, vector<16xi32>], vector<16xf32>,
    %gather3A_258 = tpu.vector_load_idx %arg10[%get3A_254] : memref<1000xf32, #tpu.memory_space<vmem>>[vector<16xi32>], vector<16xf32>,
    %sub3A_259 = arith.subf %gather3A_258, %gather3A_257 : vector<16xf32>
    %add3A_260 = arith.addf %add3A_252, %sub3A_259 : vector<16xf32>
    %get3A_261 = arith.constant 2032 : index
    %get3A_262 = tpu.vector_load %arg8[%get3A_261] {strides = array<i32>} : memref<2048xi32, #tpu.memory_space<vmem>>, vector<16xi32>,
    %get3A_263 = arith.constant 2032 : index
    %get3A_264 = tpu.vector_load %arg9[%get3A_263] {strides = array<i32>} : memref<2048xi32, #tpu.memory_space<vmem>>, vector<16xi32>,
    %gather3A_265 = tpu.vector_load_idx %arg12[%min3A_12, %get3A_264] : memref<50x1000xf32, #tpu.memory_space<vmem>>[vector<16xi32>, vector<16xi32>], vector<16xf32>,
    %gather3A_266 = tpu.vector_load_idx %arg10[%get3A_262] : memref<1000xf32, #tpu.memory_space<vmem>>[vector<16xi32>], vector<16xf32>,
    %sub3A_267 = arith.subf %gather3A_266, %gather3A_265 : vector<16xf32>
    %mul3A_268 = arith.mulf %sub3A_267, %convert_element_type3A_7 : vector<16xf32>
    %add3A_269 = arith.addf %add3A_260, %mul3A_268 : vector<16xf32>
    %add3A_270 = arith.constant 30 : i32
    %add3A_271 = arith.addi %mul3A_4, %add3A_270 : i32
    %dma_wait3A_272 = arith.constant 0 : i32
    %dma_wait3A_273 = arith.constant 0 : i32
    %dma_wait3A_274 = tpu.memref_slice %arg6[%add3A_271, %dma_wait3A_272, %dma_wait3A_273] : memref<1024x50x1000xf32, #tpu.memory_space<hbm>> -> memref<1x50x1000xf32, #tpu.memory_space<hbm>>
    %dma_wait3A_275 = tpu.memref_squeeze %dma_wait3A_274 : memref<1x50x1000xf32, #tpu.memory_space<hbm>> -> memref<50x1000xf32, #tpu.memory_space<hbm>>
    %dma_wait3A_276 = arith.constant 0 : i32
    %dma_wait3A_277 = arith.constant 0 : i32
    %dma_wait3A_278 = tpu.memref_slice %arg6[%add3A_271, %dma_wait3A_276, %dma_wait3A_277] : memref<1024x50x1000xf32, #tpu.memory_space<hbm>> -> memref<1x50x1000xf32, #tpu.memory_space<hbm>>
    %dma_wait3A_279 = tpu.memref_squeeze %dma_wait3A_278 : memref<1x50x1000xf32, #tpu.memory_space<hbm>> -> memref<50x1000xf32, #tpu.memory_space<hbm>>
    tpu.wait_dma2 semaphore(%arg16 : memref<!tpu.dma_semaphore, #tpu.memory_space<semaphore_mem>>) src(%arg11 : memref<50x1000xf32, #tpu.memory_space<vmem>>) dst(%dma_wait3A_279 : memref<50x1000xf32, #tpu.memory_space<hbm>>)
    %add3A_280 = arith.constant 31 : i32
    %add3A_281 = arith.addi %mul3A_4, %add3A_280 : i32
    %dma_wait3A_282 = arith.constant 0 : i32
    %dma_wait3A_283 = arith.constant 0 : i32
    %dma_wait3A_284 = tpu.memref_slice %arg6[%add3A_281, %dma_wait3A_282, %dma_wait3A_283] : memref<1024x50x1000xf32, #tpu.memory_space<hbm>> -> memref<1x50x1000xf32, #tpu.memory_space<hbm>>
    %dma_wait3A_285 = tpu.memref_squeeze %dma_wait3A_284 : memref<1x50x1000xf32, #tpu.memory_space<hbm>> -> memref<50x1000xf32, #tpu.memory_space<hbm>>
    %dma_wait3A_286 = arith.constant 0 : i32
    %dma_wait3A_287 = arith.constant 0 : i32
    %dma_wait3A_288 = tpu.memref_slice %arg6[%add3A_281, %dma_wait3A_286, %dma_wait3A_287] : memref<1024x50x1000xf32, #tpu.memory_space<hbm>> -> memref<1x50x1000xf32, #tpu.memory_space<hbm>>
    %dma_wait3A_289 = tpu.memref_squeeze %dma_wait3A_288 : memref<1x50x1000xf32, #tpu.memory_space<hbm>> -> memref<50x1000xf32, #tpu.memory_space<hbm>>
    tpu.wait_dma2 semaphore(%arg17 : memref<!tpu.dma_semaphore, #tpu.memory_space<semaphore_mem>>) src(%arg12 : memref<50x1000xf32, #tpu.memory_space<vmem>>) dst(%dma_wait3A_289 : memref<50x1000xf32, #tpu.memory_space<hbm>>)
    %swap3A = arith.constant 0 : index
    %swap3A_290 = tpu.vector_load %arg13[%swap3A] {strides = array<i32>} : memref<16xf32, #tpu.memory_space<vmem>>, vector<16xf32>,
    tpu.vector_store %arg13[%swap3A], %add3A_269 {strides = array<i32>} : memref<16xf32, #tpu.memory_space<vmem>>, vector<16xf32>,
    "tpu.region"() ({
      %run_scoped3A = tpu.sem_alloc : memref<!tpu.dma_semaphore, #tpu.memory_space<semaphore_mem>>
      %dma_start3A_291 = arith.constant 0 : i32
      %dma_start3A_292 = tpu.memref_slice %arg7[%add3A, %dma_start3A_291] : memref<32x16xf32, #tpu.memory_space<hbm>> -> memref<1x16xf32, #tpu.memory_space<hbm>>
      %dma_start3A_293 = tpu.memref_squeeze %dma_start3A_292 : memref<1x16xf32, #tpu.memory_space<hbm>> -> memref<16xf32, #tpu.memory_space<hbm>>
      %dma_start3A_294 = arith.constant 0 : i32
      %dma_start3A_295 = tpu.memref_slice %arg7[%add3A, %dma_start3A_294] : memref<32x16xf32, #tpu.memory_space<hbm>> -> memref<1x16xf32, #tpu.memory_space<hbm>>
      %dma_start3A_296 = tpu.memref_squeeze %dma_start3A_295 : memref<1x16xf32, #tpu.memory_space<hbm>> -> memref<16xf32, #tpu.memory_space<hbm>>
      tpu.enqueue_dma source(%arg13 : memref<16xf32, #tpu.memory_space<vmem>>) target(%dma_start3A_296 : memref<16xf32, #tpu.memory_space<hbm>>) target_semaphore(%run_scoped3A : memref<!tpu.dma_semaphore, #tpu.memory_space<semaphore_mem>>)
      %dma_wait3A_297 = arith.constant 0 : i32
      %dma_wait3A_298 = tpu.memref_slice %arg7[%add3A, %dma_wait3A_297] : memref<32x16xf32, #tpu.memory_space<hbm>> -> memref<1x16xf32, #tpu.memory_space<hbm>>
      %dma_wait3A_299 = tpu.memref_squeeze %dma_wait3A_298 : memref<1x16xf32, #tpu.memory_space<hbm>> -> memref<16xf32, #tpu.memory_space<hbm>>
      %dma_wait3A_300 = arith.constant 0 : i32
      %dma_wait3A_301 = tpu.memref_slice %arg7[%add3A, %dma_wait3A_300] : memref<32x16xf32, #tpu.memory_space<hbm>> -> memref<1x16xf32, #tpu.memory_space<hbm>>
      %dma_wait3A_302 = tpu.memref_squeeze %dma_wait3A_301 : memref<1x16xf32, #tpu.memory_space<hbm>> -> memref<16xf32, #tpu.memory_space<hbm>>
      tpu.wait_dma2 semaphore(%run_scoped3A : memref<!tpu.dma_semaphore, #tpu.memory_space<semaphore_mem>>) src(%arg13 : memref<16xf32, #tpu.memory_space<vmem>>) dst(%dma_wait3A_302 : memref<16xf32, #tpu.memory_space<hbm>>)
      tpu.yield
    }) : () -> ()
    return
  }
}

module attributes {stable_mosaic.version = 14 : i64} {
  func.func @_lse_body(%arg0: memref<1000x1000xf32, #tpu.memory_space<vmem>>, %arg1: memref<1000xf32, #tpu.memory_space<vmem>>) attributes {dimension_semantics = [], scalar_prefetch = 0 : i64, scratch_operands = 0 : i64, tpu.core_type = #tpu.core_type<tc>} {
    %get3A = arith.constant 0 : index
    %get3A_0 = arith.constant 0 : index
    %get3A_1 = vector.load %arg0[%get3A, %get3A_0] : memref<1000x1000xf32, #tpu.memory_space<vmem>>, vector<1000x1000xf32>
    %reduce_max3A = arith.constant dense<0xFF800000> : vector<1000xf32>
    %reduce_max3A_2 = vector.multi_reduction <maximumf>, %get3A_1, %reduce_max3A [1] : vector<1000x1000xf32> to vector<1000xf32>
    %broadcast_in_dim3A = vector.shape_cast %reduce_max3A_2 : vector<1000xf32> to vector<1000x1xf32>
    %sub3A = vector.broadcast %broadcast_in_dim3A : vector<1000x1xf32> to vector<1000x1000xf32>
    %sub3A_3 = arith.subf %get3A_1, %sub3A : vector<1000x1000xf32>
    %exp3A = math.exp %sub3A_3 : vector<1000x1000xf32>
    %reduce_sum3A = arith.constant dense<0.000000e+00> : vector<1000xf32>
    %reduce_sum3A_4 = vector.multi_reduction <add>, %exp3A, %reduce_sum3A [1] : vector<1000x1000xf32> to vector<1000xf32>
    %log3A = math.log %reduce_sum3A_4 : vector<1000xf32>
    %add3A = arith.addf %reduce_max3A_2, %log3A : vector<1000xf32>
    %swap3A = arith.constant 0 : index
    %swap3A_5 = vector.load %arg1[%swap3A] : memref<1000xf32, #tpu.memory_space<vmem>>, vector<1000xf32>
    tpu.vector_store %arg1[%swap3A], %add3A {strides = array<i32>} : memref<1000xf32, #tpu.memory_space<vmem>>, vector<1000xf32>,
    return
  }
}

module attributes {stable_mosaic.version = 14 : i64} {
  func.func @_loss_body(%arg0: memref<32x16xf32, #tpu.memory_space<vmem>>, %arg1: memref<1x1xf32, #tpu.memory_space<vmem>>) attributes {dimension_semantics = [], scalar_prefetch = 0 : i64, scratch_operands = 0 : i64, tpu.core_type = #tpu.core_type<tc>} {
    %get3A = arith.constant 0 : index
    %get3A_0 = arith.constant 0 : index
    %get3A_1 = vector.load %arg0[%get3A, %get3A_0] : memref<32x16xf32, #tpu.memory_space<vmem>>, vector<32x16xf32>
    %reduce_sum3A = vector.shape_cast %get3A_1 : vector<32x16xf32> to vector<1x32x16xf32>
    %reduce_sum3A_2 = arith.constant dense<0.000000e+00> : vector<1xf32>
    %reduce_sum3A_3 = vector.multi_reduction <add>, %reduce_sum3A, %reduce_sum3A_2 [1, 2] : vector<1x32x16xf32> to vector<1xf32>
    %reduce_sum3A_4 = vector.shape_cast %reduce_sum3A_3 : vector<1xf32> to vector<1x1x1xf32>
    %reduce_sum3A_5 = vector.extract %reduce_sum3A_4[0, 0, 0] : f32 from vector<1x1x1xf32>
    %broadcast_in_dim3A = vector.broadcast %reduce_sum3A_5 : f32 to vector<1x1xf32>
    %mul3A = arith.constant 1.95312496E-5 : f32
    %mul3A_6 = vector.broadcast %mul3A : f32 to vector<1x1xf32>
    %mul3A_7 = arith.mulf %broadcast_in_dim3A, %mul3A_6 : vector<1x1xf32>
    %swap3A = arith.constant 0 : index
    %swap3A_8 = arith.constant 0 : index
    %swap3A_9 = vector.load %arg1[%swap3A, %swap3A_8] : memref<1x1xf32, #tpu.memory_space<vmem>>, vector<1x1xf32>
    tpu.vector_store %arg1[%swap3A, %swap3A_8], %mul3A_7 {strides = array<i32>} : memref<1x1xf32, #tpu.memory_space<vmem>>, vector<1x1xf32>,
    return
  }
}

</mosaic_0001>

<sc_bundles>
// kernel: kernel.5.cloned.1.call-start
scs
__scs_entry_jumppad:
0x0: {  	(pc) =	sbr.rel $0x88, $3  }
0x1: {  	(tag) =	ssettag $0x0;
	lr =	simm.s32 $0x1  }
0x2: {  	[smem:$0x3F9E] =	sst lr;
	_ =	strace $0xD0000000  }
0x3: {  	_ = 	snop  }
0x4: {  	_ = 	snop  }
0x5: {  	_ = 	snop  }
0x6: {  	_ = 	snop  }
0x7: {  	_ = 	snop  }
__scs_overlays_trampoline_lowered:
0x8: {  	[smem:$0x3FAD] =	sst s0  }
0x9: {  	[smem:$0x3FAE] =	sst s1  }
0xa: {  	[smem:$0x3FAF] =	sst s2  }
0xb: {  	[smem:$0x3FB0] =	sst s3  }
0xc: {  	[smem:$0x3FB1] =	sst s4  }
0xd: {  	[smem:$0x3FB2] =	sst s5  }
0xe: {  	[smem:$0x3FB3] =	sst s6  }
0xf: {  	[smem:$0x3FB4] =	sst s7  }
0x10: {  	[smem:$0x3FB5] =	sst s8  }
0x11: {  	[smem:$0x3FB6] =	sst s9;
	s0 =	simm.s32 @!p0 $0x0  }
0x12: {  	s1 =	sld [smem:$0x3F9C];
	s0 =	simm.s32 @p0 $0x1  }
0x13: {  	[smem:$0x3FB7] =	sst s0;
	s0 =	simm.s32 @!p1 $0x0  }
0x14: {  	s2 =	sld [smem:$0x3F9B];
	s0 =	simm.s32 @p1 $0x1  }
0x15: {  	[smem:$0x3FB8] =	sst s0;
	s0 =	simm.s32 @!p2 $0x0  }
0x16: {  	s3 =	sld [smem:$0x3FDB];
	s0 =	simm.s32 @p2 $0x1  }
0x17: {  	s4 =	simm.s32 $0x1BF5;
	[smem:$0x3FBA] =	sst s0  }
0x18: {  	s0 =	sld [smem:$0x3F9D];
	_ =	swait.ge [sflag:s4], $0x0  }
0x19: {  	s7 =	sld [smem:$0x3F9E]  }
0x1a: {  	s8 =	sadd.s32 $0xFFFFE003, lr  }
0x1b: {  	s9 =	sadd.s32 $0xFFFFFEF7, lr;
	s5 =	simm.s32 $0xFFFFFFFF;
	p2 =	slt.u32 s8, $0xFFFFF086  }
0x1c: {  	p1 =	slt.u32 s9, $0xF7A;
	s5 =	simm.s32 @!p2 $0x0  }
0x1d: {  	s5 =	simm.s32 @p1 $0x1;
	p0 =	seq.s32 s7, s2  }
0x1e: {  	s7 =	smul.u32 @!p0 $0xF7A, s2;
	p2 =	seq.s32 @!p0 s5, $0x0  }
0x1f: {  	s9 =	smul.u32 $0xF7A, s1;
	s8 =	simm.s32 @!p0 $0x1BF5;
	p2 =	por !p2, p0  }
0x20: {  	[sflag:s8] =	ssyncset.s32 @!p0 $0xFFFFF086;
	s6 =	sadd.s32 @!p0 s3, s7;
	s7 =	simm.s32 @!p0 $0x108  }
0x21: {  	s3 =	sadd.s32 s3, s9;
	s6 =	sadd.s32 @!p0 $0x88, s6;
	s7 =	simm.s32 @p2 $0x1082  }
0x22: {  	[simem:s7], [sflag:s8] =	dma.local @!p0 [hbm:s6], $0xF7A  }
0x23: {  	s9 =	sor.u32 $0xD0000000, s2;
	s6 =	simm.s32 $0x108;
	_ =	swait.ge @!p0 [sflag:s8], $0x0  }
0x24: {  	s3 =	sadd.s32 $0x88, s3;
	s6 =	simm.s32 @!p1 $0x1082;
	[sflag:s4] =	ssyncset.s32 $0xFFFFF086  }
0x25: {  	[simem:s6], [sflag:s4] =	dma.local [hbm:s3], $0xF7A  }
0x26: {  	[smem:$0x3F9E] =	sst s1;
	(tag) =	ssettag s2;
	_ =	strace s9  }
0x27: {  	s1 =	sld [smem:$0x3FAE]  }
0x28: {  	s2 =	sld [smem:$0x3FAF]  }
0x29: {  	s4 =	sld [smem:$0x3FB1]  }
0x2a: {  	p0 =	seq.s32 s5, $0x0;
	s5 =	sld [smem:$0x3FB2]  }
0x2b: {  	s6 =	sld [smem:$0x3FB3]  }
0x2c: {  	s7 =	sld [smem:$0x3FB4]  }
0x2d: {  	s3 =	simm.s32 $0x108;
	s8 =	sld [smem:$0x3FB5]  }
0x2e: {  	s3 =	simm.s32 @!p0 $0x1082;
	s9 =	sld [smem:$0x3FB6]  }
0x2f: {  	lr =	sadd.s32 s0, s3;
	s0 =	sld [smem:$0x3FAD]  }
0x30: {  	s3 =	sld [smem:$0x3FB0]  }
0x31: {  	[smem:$0x3FB9] =	sst s10  }
0x32: {  	s10 =	sld [smem:$0x3FB7];
	_ =	sdelay $0x3  }
0x33: {  	p0 =	seq.s32 s10, $0x1;
	s10 =	sld [smem:$0x3FB9];
	_ =	sdelay $0x3  }
0x34: {  	[smem:$0x3FB9] =	sst s10  }
0x35: {  	s10 =	sld [smem:$0x3FB8];
	_ =	sdelay $0x3  }
0x36: {  	p1 =	seq.s32 s10, $0x1;
	s10 =	sld [smem:$0x3FB9];
	_ =	sdelay $0x3  }
0x37: {  	[smem:$0x3FB9] =	sst s10  }
0x38: {  	s10 =	sld [smem:$0x3FBA]  }
0x39: {  	_ = 	snop;
	(pc) =	sbr.ind lr, $3  }
0x3a: {  	_ = 	snop  }
0x3b: {  	_ = 	snop  }
0x3c: {  	p2 =	seq.s32 s10, $0x1;
	s10 =	sld [smem:$0x3FB9]  }
0x3d: {  	_ =	shalt  }
0x3e: {  	_ =	shalt  }
0x3f: {  	_ =	shalt  }
0x40: {  	_ =	shalt  }
0x41: {  	_ =	shalt  }
0x42: {  	_ =	shalt  }
0x43: {  	_ =	shalt  }
0x44: {  	_ =	shalt  }
0x45: {  	_ =	shalt  }
0x46: {  	_ =	shalt  }
0x47: {  	_ =	shalt  }
0x48: {  	_ =	shalt  }
0x49: {  	_ =	shalt  }
0x4a: {  	_ =	shalt  }
0x4b: {  	_ =	shalt  }
0x4c: {  	_ =	shalt  }
0x4d: {  	_ =	shalt  }
0x4e: {  	_ =	shalt  }
0x4f: {  	_ =	shalt  }
0x50: {  	_ =	shalt  }
0x51: {  	_ =	shalt  }
0x52: {  	_ =	shalt  }
0x53: {  	_ =	shalt  }
0x54: {  	_ =	shalt  }
0x55: {  	_ =	shalt  }
0x56: {  	_ =	shalt  }
0x57: {  	_ =	shalt  }
0x58: {  	_ =	shalt  }
0x59: {  	_ =	shalt  }
0x5a: {  	_ =	shalt  }
0x5b: {  	_ =	shalt  }
0x5c: {  	_ =	shalt  }
0x5d: {  	_ =	shalt  }
0x5e: {  	_ =	shalt  }
0x5f: {  	_ =	shalt  }
0x60: {  	_ =	shalt  }
0x61: {  	_ =	shalt  }
0x62: {  	_ =	shalt  }
0x63: {  	_ =	shalt  }
0x64: {  	_ =	shalt  }
0x65: {  	_ =	shalt  }
0x66: {  	_ =	shalt  }
0x67: {  	_ =	shalt  }
0x68: {  	_ =	shalt  }
0x69: {  	_ =	shalt  }
0x6a: {  	_ =	shalt  }
0x6b: {  	_ =	shalt  }
0x6c: {  	_ =	shalt  }
0x6d: {  	_ =	shalt  }
0x6e: {  	_ =	shalt  }
0x6f: {  	_ =	shalt  }
0x70: {  	_ =	shalt  }
0x71: {  	_ =	shalt  }
0x72: {  	_ =	shalt  }
0x73: {  	_ =	shalt  }
0x74: {  	_ =	shalt  }
0x75: {  	_ =	shalt  }
0x76: {  	_ =	shalt  }
0x77: {  	_ =	shalt  }
0x78: {  	_ =	shalt  }
0x79: {  	_ =	shalt  }
0x7a: {  	_ =	shalt  }
0x7b: {  	_ =	shalt  }
0x7c: {  	_ =	shalt  }
0x7d: {  	_ =	shalt  }
0x7e: {  	_ =	shalt  }
0x7f: {  	_ =	shalt  }
0x80: {  	_ =	shalt  }
0x81: {  	_ =	shalt  }
0x82: {  	_ =	shalt  }
0x83: {  	_ =	shalt  }
0x84: {  	_ =	shalt  }
0x85: {  	_ =	shalt  }
0x86: {  	_ =	shalt  }
0x87: {  	_ =	shalt  }
.Lfunc_end0:
.L_simem_size_0:
called_computation.1_lowered:
.L_overlay_start_0:
0x88: {  	s2 =	sld [smem:$0x3FD9]  }
0x89: {  	s3 =	sld [smem:$0x3FFE];
	_ =	sdelay $0x1  }
0x8a: {  	s1 =	srdreg.scid  }
0x8b: {  	s0 =	sand.u32 $0x1, s1  }
0x8c: {  	s14 =	sshll.u32 s0, $0xA;
	s2 =	sadd.s32 s3, s2  }
0x8d: {  	s2 =	sadd.s32 s2, s14  }
0x8e: {  	[smem:$0x3FC5] =	sst s2  }
0x8f: {  	_ = 	snop  }
0x90: {  	s2 =	sld [smem:$0x3FD0];
	_ =	sdelay $0x2  }
0x91: {  	s15 =	simm.s32 $0xA;
	s4 =	simm.s32 $0x10  }
0x92: {  	[smem:s4], [sflag:s15] =	dma.local [hbm:s2], $0x1  }
0x93: {  	_ =	swait.eq [sflag:s15], $0x1  }
0x94: {  	[sflag:s15] =	ssyncset.done $0x0  }
0x95: {  	[sflag:s15] =	ssyncadd.s32 $0xFFFFFFFF  }
0x96: {  	s16 =	sld [smem:$0x10];
	(tm) =	ssettm $0x1  }
0x97: {  	s17 =	sld [smem:$0x3FFB];
	_ =	sdelay $0x3  }
0x98: {  	_ =	strace s17  }
0x99: {  	s3 =	sld [smem:$0x3FFC];
	_ =	sdelay $0x3  }
0x9a: {  	_ =	strace s3  }
0x9b: {  	s3 =	sld [smem:$0x3FFD];
	_ =	sdelay $0x3  }
0x9c: {  	_ =	strace s3  }
0x9d: {  	_ =	strace $0x8FFFFFFF  }
0x9e: {  	s18 =	sld [smem:$0x3FDB];
	_ =	sdelay $0x1  }
0x9f: {  	s19 =	simm.s32 $_scs_section_size  }
0xa0: {  	s5 =	simm.s32 $_size__tile_overlayer_lowered;
	s6 =	simm.s32 $_tile_overlayer_lowered  }
0xa1: {  	s22 =	simm.s32 $0x1BFF;
	s21 =	sshll.u32 s6, $0x1;
	s3 =	sadd.s32 s19, s18  }
0xa2: {  	s7 =	simm.s32 $0x0;
	s20 =	sshll.u32 s5, $0x1;
	s5 =	sadd.s32 s21, s3  }
0xa3: {  	[timem:s7], [sflag:s22] =	dma.local [hbm:s5], s20  }
0xa4: {  	_ =	swait.ge [sflag:s22], s20  }
0xa5: {  	s4 =	ssub.s32 $0x0, s20;
	[sflag:s22] =	ssyncset.done $0x0  }
0xa6: {  	[sflag:s22] =	ssyncadd.s32 s4;
	_ =	sdelay $0x1  }
0xa7: {  	s23 =	simm.s32 $0x1B8B  }
0xa8: {  	_ =	swait.ge [sflag:s23], $0x1  }
0xa9: {  	[sflag:s23] =	ssyncset.done $0x0  }
0xaa: {  	s25 =	simm.s32 $0x1B8E;
	s24 =	sld [smem:$0x3FFE];
	[sflag:s23] =	ssyncadd.s32 $0xFFFFFFFF  }
0xab: {  	s26 =	simm.s32 $execute0_lowered;
	[smem:$0x3FD2] =	sst s25  }
0xac: {  	s5 =	sshll.u32 s26, $0x1;
	_ =	strace $0x80000046;
	[dreg:$0x1] =	wrdreg $0xFFFFFFFF  }
0xad: {  	s28 =	simm.s32 $_size_execute0_lowered;
	s3 =	sadd.s32 s3, s5;
	[dreg:$0x0] =	wrdreg $0x0  }
0xae: {  	s5 =	sshll.u32 s28, $0x1;
	[dreg:$0x2] =	wrdreg s3  }
0xaf: {  	[dreg:$0x3] =	wrdreg s5  }
0xb0: {  	[dreg:$0x4] =	wrdreg $0xC0  }
0xb1: {  	_ =	task [dreg:s7], $0x5FFFF  }
0xb2: {  	[dreg:$0x1] =	wrdreg $0xFFFFFFFF  }
0xb3: {  	[dreg:$0x0] =	wrdreg $0x60  }
0xb4: {  	[dreg:$0x2] =	wrdreg s24  }
0xb5: {  	[dreg:$0x3] =	wrdreg s16  }
0xb6: {  	[dreg:$0x4] =	wrdreg $0x9  }
0xb7: {  	_ =	task.clear_ibuf [dreg:s7], $0x5FFFF;
	_ =	strace $0x90000046  }
0xb8: {  	s29 =	simm.s32 $0x9;
	_ =	strace $0x80000048  }
0xb9: {  	_ =	swait.ge [sflag:s29], $0x1  }
0xba: {  	[sflag:s29] =	ssyncadd.s32 $0xFFFFFFFF  }
0xbb: {  	_ =	strace $0x90000048  }
0xbc: {  	_ =	sfence  }
0xbd: {  	s30 =	sld [smem:$0x0];
	_ =	sdelay $0x2  }
0xbe: {  	s31 =	sshll.u32 s1, $0xD;
	s1 =	sshrl.u32 s1, $0x2  }
0xbf: {  	s3 =	sand.u32 $0x4000, s31;
	s1 =	sadd.s32 s1, s30  }
0xc0: {  	s0 =	sor.u32 s3, s0;
	s1 =	sshll.u32 s1, $0x11  }
0xc1: {  	s0 =	sor.u32 s1, s0  }
0xc2: {  	s0 =	sadd.s32 $0x8F2B, s0  }
0xc3: {  	[sflag:s0] =	ssyncadd.remote.s32 $0x1  }
0xc4: {  	_ =	sfence.sel $0xFFFF  }
0xc5: {  	[dreg:$0x0] =	wrdreg $0xFFFFFFFF;
	(pc) =	sbr.abs _section_cstart, $3  }
0xc6: {  	[dreg:$0x1] =	wrdreg $0xFFFFFFFF  }
0xc7: {  	_ =	task.clear_ibuf [dreg:s7], $0x2FFFF;
	_ =	strace $0x9FFFFFFF  }
0xc8: {  	(tm) =	ssettm $0x7FFFFFFF  }
0xc9: {  	_ =	shalt  }
tec
execute0_lowered:
.L_overlay_start_1:
0x0: {  	(tag) =	ssettag $0x1  }
0x1: {  	s0 =	rddreg [dreg:$0x0]  }
0x2: {  	s9 =	rddreg [dreg:$0x1];
	s3 =	srdreg.scid  }
0x3: {  	s1 =	stileid.u32;
	s2 =	simm.s32 $0x0;
	s15 =	simm.s32 $0x800  }
0x4: {  	s16 =	simm.s32 $0x1000;
	s17 =	simm.s32 $0x32;
	s18 =	simm.s32 $0x13E8  }
0x5: {  	s19 =	simm.s32 $0x40;
	s20 =	simm.s32 $0xD738;
	s21 =	simm.s32 $0x1  }
0x6: {  	s22 =	simm.s32 $0x3;
	s23 =	simm.s32 $0x80;
	s28 =	simm.s32 $0x19A88  }
0x7: {  	s29 =	simm.s32 $0x0;
	s7 =	sand.u32 $0x1, s3;
	s24 =	sshll.u32 s1, $0x1  }
0x8: {  	[smem:$0x7FF] =	sst s2;
	s3 =	sadd.s32 $0x1400, s0;
	s30 =	smul.u32 $0x61A80, s1  }
0x9: {  	s5 =	sor.u32 s7, s24;
	_ =	strace $0x80000047;
	s8 =	ssub.s32 $0x2, s7  }
0xa: {  	s31 =	smul.u32 $0x30D40, s7;
	s24 =	simm.s32 $0x2;
	s4 =	sshll.u32 s5, $0x8  }
0xb: {  	s10 =	sshll.u32 s5, $0x1;
	s11 =	sshrl.u32 s8, $0x1;
	s12 =	smul.u32 $0x186A00, s5  }
0xc: {  	s25 =	smul.u32 $0x30D40, s5;
	s6 =	sadd.s32 s4, s0;
	s4 =	sadd.s32 $0x1200, s0  }
0xd: {  	s0 =	sadd.s32 s10, s0;
	s13 =	ssub.s32 s8, s11;
	s11 =	sadd.s32 s30, s9  }
0xe: {  	s5 =	sadd.s32 $0x1FE00, s6;
	s26 =	sshrl.u32 s12, $0x3;
	s6 =	sadd.s32 $0x21E00, s6  }
0xf: {  	v0 =	vlaneseq.u32;
	s7 =	sadd.s32 s9, s25;
	s14 =	sadd.s32 s31, s11;
	s11 =	sadd.s32 $0x23E00, s0  }
0x10: {  	v1 =	vimm.s32 $0xBF68;
	vm0 =	vcmask $0x300;
	v0 =	vmul.u32 $0x3E8, v0;
	s12 =	smax.u32 s13, $0x1;
	s25 =	simm.s32 $0x4;
	s10 =	sadd.s32 s9, s26  }
0x11: {  	v4 =	vimm.f32 $0.0e+00;
	vm15 =	vcmask $0x700;
	v1 =	vsel vm0, $0xBB80, v1;
	s13 =	sadd.s32 $0x493E, s14;
	s14 =	simm.s32 $0x5;
	s26 =	simm.s32 $0x7C0  }
0x12: {  	v4 =	vsel vm15, $0x3F800000, v4;
	v2 =	vadd.s32 $0x3E80, v0;
	v3 =	vadd.s32 $0x7D00, v0;
	s8 =	sadd.s32 $0x186A, s10;
	s9 =	sadd.s32 $0x2DC6C, s10;
	s10 =	sadd.s32 $0x2F4D6, s10  }
.LBB2_1:
0x13: {  	[tilespmem:s2], [sflag:$0x5] =	stream.linear.gather [hbm4b:s5+s2], $0x800, $0x38;
	[tilespmem:$0x19A98] =	vst v63  }
0x14: {  	_ =	swait.ge [sflag:s14], $0x800  }
0x15: {  	[sflag:s14] =	ssyncset.done $0x0  }
0x16: {  	[sflag:s14] =	ssyncadd.s32 $0xFFFFF800  }
0x17: {  	[tilespmem:s15], [sflag:$0x5] =	stream.linear.gather [hbm4b:s6+s2], $0x800, $0x38;
	[tilespmem:$0x19A98] =	vst v63  }
0x18: {  	_ =	swait.ge [sflag:s14], $0x800  }
0x19: {  	[sflag:s14] =	ssyncset.done $0x0  }
0x1a: {  	[sflag:s14] =	ssyncadd.s32 $0xFFFFF800  }
0x1b: {  	[tilespmem:s16], [sflag:$0x5] =	stream.linear.gather [hbm4b:s4+s2], $0x3E8, $0x38;
	[tilespmem:$0x19A98] =	vst v63  }
0x1c: {  	_ =	swait.ge [sflag:s14], $0x3E8  }
0x1d: {  	[sflag:s14] =	ssyncset.done $0x0  }
0x1e: {  	[sflag:s14] =	ssyncadd.s32 $0xFFFFFC18  }
0x1f: {  	[tilespmem:s18], [sflag:$0x1] =	stream.indirect.gather [hbm4b:s3+s17], $0x3E8, s2, s17, $0xb8;
	[tilespmem:$0x19A98] =	vst v63  }
0x20: {  	_ = 	snop  }
0x21: {  	[tilespmem:s20], [sflag:$0x2] =	stream.indirect.gather [hbm4b:s3+s17], $0x3E8, s19, s17, $0xb8;
	[tilespmem:$0x19A98] =	vst v63  }
0x22: {  	_ =	swait.ge [sflag:s21], $0xC350  }
0x23: {  	[sflag:s21] =	ssyncset.done $0x0  }
0x24: {  	[sflag:s21] =	ssyncadd.s32 $0xFFFF3CB0  }
0x25: {  	[hbm4b:s7+s2] =	stream.linear.scatter [tilespmem:s18], [sflag:$0x3], $0xC350, $0x38;
	[tilespmem:$0x19A98] =	vst v63  }
0x26: {  	v5 =	vld [tilespmem:$0x800]  }
0x27: {  	v6 =	vld [tilespmem:$0x810]  }
0x28: {  	v7 =	vld [tilespmem:$0x0]  }
0x29: {  	v9 =	vld [tilespmem:$0x10]  }
0x2a: {  	v11 =	vld [tilespmem:$0x20]  }
0x2b: {  	v12 =	vld [tilespmem:$0x30]  }
0x2c: {  	v8 =	vld [tilespmem:$0x820]  }
0x2d: {  	v10 =	vld [tilespmem:$0x830];
	_ =	sdelay $0x1  }
0x2e: {  	v5 =	vadd.s32 v0, v5  }
0x2f: {  	v6 =	vadd.s32 v2, v6;
	v7 =	vld.idx.msk [tilespmem:v7+s16+$0x0], $0xffff  }
0x30: {  	v8 =	vadd.s32 v3, v8;
	v9 =	vld.idx.msk [tilespmem:v9+s16+$0x0], $0xffff  }
0x31: {  	v10 =	vadd.s32 v1, v10;
	v11 =	vld.idx.msk [tilespmem:v11+s16+$0x0], $0xffff  }
0x32: {  	v12 =	vld.idx.msk [tilespmem:v12+s16+$0x0], $0xffff  }
0x33: {  	v5 =	vld.idx.msk [tilespmem:v5+s18+$0x0], $0xffff  }
0x34: {  	v6 =	vld.idx.msk [tilespmem:v6+s18+$0x0], $0xffff  }
0x35: {  	v8 =	vld.idx.msk [tilespmem:v8+s18+$0x0], $0xffff  }
0x36: {  	v10 =	vld.idx.msk [tilespmem:v10+s18+$0x0], $0xffff;
	_ =	swait.ge [sflag:s22], $0xC350  }
0x37: {  	[sflag:s22] =	ssyncset.done $0x0  }
0x38: {  	[sflag:s22] =	ssyncadd.s32 $0xFFFF3CB0  }
0x39: {  	[tilespmem:s18], [sflag:$0x1] =	stream.indirect.gather [hbm4b:s3+s17], $0x3E8, s23, s17, $0xb8;
	[tilespmem:$0x19A98] =	vst v63  }
0x3a: {  	_ =	swait.ge [sflag:s24], $0xC350  }
0x3b: {  	[sflag:s24] =	ssyncset.done $0x0  }
0x3c: {  	[sflag:s24] =	ssyncadd.s32 $0xFFFF3CB0  }
0x3d: {  	[hbm4b:s8+s2] =	stream.linear.scatter [tilespmem:s20], [sflag:$0x4], $0xC350, $0x38;
	[tilespmem:$0x19A98] =	vst v63  }
0x3e: {  	v13 =	vld [tilespmem:$0x840]  }
0x3f: {  	v14 =	vld [tilespmem:$0x850]  }
0x40: {  	v15 =	vld [tilespmem:$0x40]  }
0x41: {  	v17 =	vld [tilespmem:$0x50]  }
0x42: {  	v19 =	vld [tilespmem:$0x60]  }
0x43: {  	v20 =	vld [tilespmem:$0x70]  }
0x44: {  	v16 =	vld [tilespmem:$0x860]  }
0x45: {  	v18 =	vld [tilespmem:$0x870];
	_ =	sdelay $0x1  }
0x46: {  	v13 =	vadd.s32 v0, v13  }
0x47: {  	v14 =	vadd.s32 v2, v14;
	v15 =	vld.idx.msk [tilespmem:v15+s16+$0x0], $0xffff  }
0x48: {  	v16 =	vadd.s32 v3, v16;
	v17 =	vld.idx.msk [tilespmem:v17+s16+$0x0], $0xffff  }
0x49: {  	v18 =	vadd.s32 v1, v18;
	v19 =	vld.idx.msk [tilespmem:v19+s16+$0x0], $0xffff  }
0x4a: {  	v20 =	vld.idx.msk [tilespmem:v20+s16+$0x0], $0xffff  }
0x4b: {  	v13 =	vld.idx.msk [tilespmem:v13+s20+$0x0], $0xffff  }
0x4c: {  	v14 =	vld.idx.msk [tilespmem:v14+s20+$0x0], $0xffff  }
0x4d: {  	v16 =	vld.idx.msk [tilespmem:v16+s20+$0x0], $0xffff  }
0x4e: {  	v18 =	vld.idx.msk [tilespmem:v18+s20+$0x0], $0xffff;
	_ =	swait.ge [sflag:s25], $0xC350  }
0x4f: {  	[sflag:s25] =	ssyncset.done $0x0  }
0x50: {  	s0 =	simm.s32 $0xC0;
	[sflag:s25] =	ssyncadd.s32 $0xFFFF3CB0  }
0x51: {  	[tilespmem:s20], [sflag:$0x2] =	stream.indirect.gather [hbm4b:s3+s17], $0x3E8, s0, s17, $0xb8;
	[tilespmem:$0x19A98] =	vst v63  }
0x52: {  	_ =	swait.ge [sflag:s21], $0xC350  }
0x53: {  	[sflag:s21] =	ssyncset.done $0x0  }
0x54: {  	s1 =	simm.s32 $0x0;
	s30 =	sadd.s32 $0xFFFFE796, s13;
	[sflag:s21] =	ssyncadd.s32 $0xFFFF3CB0  }
0x55: {  	[hbm4b:s30+s2] =	stream.linear.scatter [tilespmem:s18], [sflag:$0x3], $0xC350, $0x38;
	[tilespmem:$0x19A98] =	vst v63  }
0x56: {  	v21 =	vld [tilespmem:s1+$0xB0]  }
0x57: {  	v22 =	vld [tilespmem:s1+$0xA0]  }
0x58: {  	v23 =	vld [tilespmem:s1+$0x80]  }
0x59: {  	v24 =	vld [tilespmem:s1+$0x8B0]  }
0x5a: {  	v25 =	vld [tilespmem:s1+$0x880]  }
0x5b: {  	v28 =	vld [tilespmem:s1+$0x90]  }
0x5c: {  	v26 =	vld [tilespmem:s1+$0x890]  }
0x5d: {  	v27 =	vld [tilespmem:s1+$0x8A0];
	_ =	sdelay $0x1  }
0x5e: {  	v5 =	vsub.f32 v7, v5;
	v24 =	vadd.s32 v1, v24  }
0x5f: {  	v25 =	vadd.s32 v0, v25;
	v23 =	vld.idx.msk [tilespmem:v23+s16+$0x0], $0xffff  }
0x60: {  	v6 =	vsub.f32 v9, v6;
	v5 =	vadd.f32 $0.0e+00, v5;
	v26 =	vadd.s32 v2, v26;
	v22 =	vld.idx.msk [tilespmem:v22+s16+$0x0], $0xffff  }
0x61: {  	v27 =	vadd.s32 v3, v27;
	v21 =	vld.idx.msk [tilespmem:v21+s16+$0x0], $0xffff  }
0x62: {  	v5 =	vadd.f32 v6, v5;
	v6 =	vld.idx.msk [tilespmem:v28+s16+$0x0], $0xffff  }
0x63: {  	v24 =	vld.idx.msk [tilespmem:v24+s18+$0x0], $0xffff  }
0x64: {  	v7 =	vld.idx.msk [tilespmem:v25+s18+$0x0], $0xffff  }
0x65: {  	v9 =	vld.idx.msk [tilespmem:v26+s18+$0x0], $0xffff  }
0x66: {  	v8 =	vsub.f32 v11, v8;
	v10 =	vsub.f32 v12, v10;
	v62 =	vld.idx.msk [tilespmem:v27+s18+$0x0], $0xffff;
	_ =	swait.ge [sflag:s22], $0xC350  }
0x67: {  	[sflag:s22] =	ssyncset.done $0x0  }
0x68: {  	v5 =	vadd.f32 v8, v5;
	v8 =	vmul.f32 v4, v10;
	s30 =	simm.s32 $0x100;
	[sflag:s22] =	ssyncadd.s32 $0xFFFF3CB0  }
0x69: {  	[tilespmem:s18], [sflag:$0x1] =	stream.indirect.gather [hbm4b:s3+s17], $0x3E8, s30, s17, $0xb8;
	[tilespmem:$0x19A98] =	vst v63  }
0x6a: {  	v5 =	vadd.f32 v8, v5;
	v8 =	vsub.f32 v15, v13;
	_ =	swait.ge [sflag:s24], $0xC350  }
0x6b: {  	[sflag:s24] =	ssyncset.done $0x0  }
0x6c: {  	v5 =	vadd.f32 v8, v5;
	v8 =	vsub.f32 v17, v14;
	[sflag:s24] =	ssyncadd.s32 $0xFFFF3CB0  }
0x6d: {  	[hbm4b:s13+s2] =	stream.linear.scatter [tilespmem:s20], [sflag:$0x4], $0xC350, $0x38;
	[tilespmem:$0x19A98] =	vst v63  }
0x6e: {  	v5 =	vadd.f32 v8, v5;
	v8 =	vld [tilespmem:s1+$0xF0]  }
0x6f: {  	v10 =	vsub.f32 v19, v16;
	v11 =	vsub.f32 v20, v18;
	v12 =	vld [tilespmem:s1+$0x8F0]  }
0x70: {  	v13 =	vld [tilespmem:s1+$0xC0]  }
0x71: {  	v5 =	vadd.f32 v10, v5;
	v10 =	vmul.f32 v4, v11;
	v15 =	vld [tilespmem:s1+$0xD0]  }
0x72: {  	v14 =	vld [tilespmem:s1+$0x8D0]  }
0x73: {  	v5 =	vadd.f32 v10, v5;
	v7 =	vsub.f32 v23, v7;
	v10 =	vld [tilespmem:s1+$0x8E0]  }
0x74: {  	v63 =	vld [tilespmem:s1+$0x8C0];
	v12 =	vadd.s32 v1, v12  }
0x75: {  	v6 =	vsub.f32 v6, v9;
	v5 =	vadd.f32 v7, v5;
	v11 =	vld [tilespmem:s1+$0xE0];
	_ =	sdelay $0x1  }
0x76: {  	v9 =	vsub.f32 v22, v62;
	v6 =	vadd.f32 v6, v5;
	v14 =	vadd.s32 v2, v14;
	v8 =	vld.idx.msk [tilespmem:v8+s16+$0x0], $0xffff  }
0x77: {  	v7 =	vld.idx.msk [tilespmem:v13+s16+$0x0], $0xffff  }
0x78: {  	v6 =	vadd.f32 v9, v6;
	v13 =	vadd.s32 v0, v63;
	v9 =	vld.idx.msk [tilespmem:v12+s20+$0x0], $0xffff  }
0x79: {  	s31 =	smov.u32 s13;
	s30 =	simm.s32 $0x200;
	v5 =	vsub.f32 v21, v24;
	v12 =	vadd.s32 v3, v10;
	v10 =	vld.idx.msk [tilespmem:v15+s16+$0x0], $0xffff  }
.LBB2_2:
0x7a: {  	p0 =	sne.s32 s30, $0x1A00  }
0x7b: {  	v14 =	vld.idx.msk [tilespmem:v14+s20+$0x0], $0xffff;
	s31 =	sadd.s32 $0x30D4, s31;
	s0 =	smov.u32 s30;
	s30 =	sadd.s32 $0x200, s30  }
0x7c: {  	v11 =	vld.idx.msk [tilespmem:v11+s16+$0x0], $0xffff  }
0x7d: {  	s0 =	sshra.s32 s0, $0x2;
	v13 =	vld.idx.msk [tilespmem:v13+s20+$0x0], $0xffff  }
0x7e: {  	s1 =	sadd.s32 $0xC0, s0;
	v12 =	vld.idx.msk [tilespmem:v12+s20+$0x0], $0xffff  }
0x7f: {  	v8 =	vsub.f32 v8, v9;
	_ =	swait.ge [sflag:s25], $0xC350  }
0x80: {  	v5 =	vmul.f32 v4, v5;
	[sflag:s25] =	ssyncset.done $0x0  }
0x81: {  	v9 =	vsub.f32 v10, v14;
	[sflag:s25] =	ssyncadd.s32 $0xFFFF3CB0  }
0x82: {  	v5 =	vadd.f32 v5, v6;
	[tilespmem:s20], [sflag:$0x2] =	stream.indirect.gather [hbm4b:s3+s17], $0x3E8, s1, s17, $0xb8;
	[tilespmem:$0x19A98] =	vst v63  }
0x83: {  	v6 =	vsub.f32 v7, v13;
	_ =	swait.ge [sflag:s21], $0xC350  }
0x84: {  	[sflag:s21] =	ssyncset.done $0x0  }
0x85: {  	s1 =	sadd.s32 $0xFFFFE796, s31;
	v5 =	vadd.f32 v6, v5;
	[sflag:s21] =	ssyncadd.s32 $0xFFFF3CB0  }
0x86: {  	v6 =	vsub.f32 v11, v12;
	[hbm4b:s1+s2] =	stream.linear.scatter [tilespmem:s18], [sflag:$0x3], $0xC350, $0x38;
	[tilespmem:$0x19A98] =	vst v63  }
0x87: {  	v5 =	vadd.f32 v9, v5;
	v7 =	vld [tilespmem:s0+$0xB0]  }
0x88: {  	v8 =	vmul.f32 v4, v8;
	v9 =	vld [tilespmem:s0+$0xA0]  }
0x89: {  	v5 =	vadd.f32 v6, v5;
	v10 =	vld [tilespmem:s0+$0x80]  }
0x8a: {  	v6 =	vld [tilespmem:s0+$0x8B0]  }
0x8b: {  	v8 =	vadd.f32 v8, v5;
	v11 =	vld [tilespmem:s0+$0x880]  }
0x8c: {  	v5 =	vld [tilespmem:s0+$0x890]  }
0x8d: {  	v12 =	vld [tilespmem:s0+$0x8A0]  }
0x8e: {  	v13 =	vld [tilespmem:s0+$0x90]  }
0x8f: {  	v6 =	vadd.s32 v1, v6  }
0x90: {  	v11 =	vadd.s32 v0, v11  }
0x91: {  	v10 =	vld.idx.msk [tilespmem:v10+s16+$0x0], $0xffff;
	v5 =	vadd.s32 v2, v5  }
0x92: {  	v12 =	vadd.s32 v3, v12;
	v9 =	vld.idx.msk [tilespmem:v9+s16+$0x0], $0xffff  }
0x93: {  	v7 =	vld.idx.msk [tilespmem:v7+s16+$0x0], $0xffff  }
0x94: {  	v6 =	vld.idx.msk [tilespmem:v6+s18+$0x0], $0xffff  }
0x95: {  	v11 =	vld.idx.msk [tilespmem:v11+s18+$0x0], $0xffff  }
0x96: {  	v14 =	vld.idx.msk [tilespmem:v5+s18+$0x0], $0xffff  }
0x97: {  	v12 =	vld.idx.msk [tilespmem:v12+s18+$0x0], $0xffff  }
0x98: {  	v13 =	vld.idx.msk [tilespmem:v13+s16+$0x0], $0xffff  }
0x99: {  	_ =	swait.ge [sflag:s22], $0xC350  }
0x9a: {  	v5 =	vsub.f32 v7, v6;
	[sflag:s22] =	ssyncset.done $0x0  }
0x9b: {  	s1 =	sadd.s32 $0x100, s0;
	v6 =	vsub.f32 v10, v11;
	[sflag:s22] =	ssyncadd.s32 $0xFFFF3CB0  }
0x9c: {  	[tilespmem:s18], [sflag:$0x1] =	stream.indirect.gather [hbm4b:s3+s17], $0x3E8, s1, s17, $0xb8;
	[tilespmem:$0x19A98] =	vst v63  }
0x9d: {  	v7 =	vsub.f32 v9, v12;
	_ =	swait.ge [sflag:s24], $0xC350  }
0x9e: {  	v6 =	vadd.f32 v6, v8;
	v8 =	vsub.f32 v13, v14;
	[sflag:s24] =	ssyncset.done $0x0  }
0x9f: {  	[sflag:s24] =	ssyncadd.s32 $0xFFFF3CB0  }
0xa0: {  	v6 =	vadd.f32 v8, v6;
	[hbm4b:s31+s2] =	stream.linear.scatter [tilespmem:s20], [sflag:$0x4], $0xC350, $0x38;
	[tilespmem:$0x19A98] =	vst v63  }
0xa1: {  	v8 =	vld [tilespmem:s0+$0x8E0]  }
0xa2: {  	v6 =	vadd.f32 v7, v6;
	v7 =	vld [tilespmem:s0+$0xF0]  }
0xa3: {  	v9 =	vld [tilespmem:s0+$0x8F0]  }
0xa4: {  	v10 =	vld [tilespmem:s0+$0xC0]  }
0xa5: {  	v12 =	vld [tilespmem:s0+$0x8D0]  }
0xa6: {  	v15 =	vld [tilespmem:s0+$0xD0]  }
0xa7: {  	v13 =	vld [tilespmem:s0+$0x8C0]  }
0xa8: {  	v11 =	vld [tilespmem:s0+$0xE0];
	v9 =	vadd.s32 v1, v9;
	_ =	sdelay $0x1  }
.Ltmp0:
0xa9: {  	v14 =	vadd.s32 v2, v12;
	v12 =	vadd.s32 v3, v8;
	v8 =	vld.idx.msk [tilespmem:v7+s16+$0x0], $0xffff;
	(pc) =	sbr.rel @p0 .LBB2_2-.Ltmp0, $4  }
0xaa: {  	_ = 	snop  }
0xab: {  	v13 =	vadd.s32 v0, v13;
	v7 =	vld.idx.msk [tilespmem:v10+s16+$0x0], $0xffff  }
0xac: {  	v9 =	vld.idx.msk [tilespmem:v9+s20+$0x0], $0xffff  }
0xad: {  	v10 =	vld.idx.msk [tilespmem:v15+s16+$0x0], $0xffff  }
0xae: {  	_ =	sdelay $0x3  }
0xaf: {  	v14 =	vld.idx.msk [tilespmem:v14+s20+$0x0], $0xffff  }
0xb0: {  	v11 =	vld.idx.msk [tilespmem:v11+s16+$0x0], $0xffff  }
0xb1: {  	v13 =	vld.idx.msk [tilespmem:v13+s20+$0x0], $0xffff  }
0xb2: {  	v12 =	vld.idx.msk [tilespmem:v12+s20+$0x0], $0xffff;
	_ =	swait.ge [sflag:s25], $0xC350  }
0xb3: {  	[sflag:s25] =	ssyncset.done $0x0  }
0xb4: {  	[sflag:s25] =	ssyncadd.s32 $0xFFFF3CB0  }
0xb5: {  	[tilespmem:s20], [sflag:$0x2] =	stream.indirect.gather [hbm4b:s3+s17], $0x3E8, s26, s17, $0xb8;
	[tilespmem:$0x19A98] =	vst v63  }
0xb6: {  	_ =	swait.ge [sflag:s21], $0xC350  }
0xb7: {  	[sflag:s21] =	ssyncset.done $0x0  }
0xb8: {  	[sflag:s21] =	ssyncadd.s32 $0xFFFF3CB0  }
0xb9: {  	[hbm4b:s9+s2] =	stream.linear.scatter [tilespmem:s18], [sflag:$0x3], $0xC350, $0x38;
	[tilespmem:$0x19A98] =	vst v63  }
0xba: {  	v15 =	vld [tilespmem:$0xF80]  }
0xbb: {  	v16 =	vld [tilespmem:$0xF90]  }
0xbc: {  	v17 =	vld [tilespmem:$0x780]  }
0xbd: {  	v19 =	vld [tilespmem:$0x790]  }
0xbe: {  	v21 =	vld [tilespmem:$0x7A0]  }
0xbf: {  	v22 =	vld [tilespmem:$0x7B0]  }
0xc0: {  	v18 =	vld [tilespmem:$0xFA0]  }
0xc1: {  	v20 =	vld [tilespmem:$0xFB0];
	_ =	sdelay $0x1  }
0xc2: {  	v15 =	vadd.s32 v0, v15  }
0xc3: {  	v16 =	vadd.s32 v2, v16;
	v17 =	vld.idx.msk [tilespmem:v17+s16+$0x0], $0xffff  }
0xc4: {  	v18 =	vadd.s32 v3, v18;
	v19 =	vld.idx.msk [tilespmem:v19+s16+$0x0], $0xffff  }
0xc5: {  	v20 =	vadd.s32 v1, v20;
	v21 =	vld.idx.msk [tilespmem:v21+s16+$0x0], $0xffff  }
0xc6: {  	v22 =	vld.idx.msk [tilespmem:v22+s16+$0x0], $0xffff  }
0xc7: {  	v15 =	vld.idx.msk [tilespmem:v15+s18+$0x0], $0xffff  }
0xc8: {  	v16 =	vld.idx.msk [tilespmem:v16+s18+$0x0], $0xffff  }
0xc9: {  	v18 =	vld.idx.msk [tilespmem:v18+s18+$0x0], $0xffff  }
0xca: {  	v20 =	vld.idx.msk [tilespmem:v20+s18+$0x0], $0xffff;
	_ =	swait.ge [sflag:s24], $0xC350  }
0xcb: {  	v5 =	vmul.f32 v4, v5;
	[sflag:s24] =	ssyncset.done $0x0  }
0xcc: {  	[sflag:s24] =	ssyncadd.s32 $0xFFFF3CB0  }
0xcd: {  	v5 =	vadd.f32 v5, v6;
	v6 =	vsub.f32 v7, v13;
	[hbm4b:s10+s2] =	stream.linear.scatter [tilespmem:s20], [sflag:$0x4], $0xC350, $0x38;
	[tilespmem:$0x19A98] =	vst v63  }
0xce: {  	v7 =	vld [tilespmem:$0xFC0]  }
0xcf: {  	v5 =	vadd.f32 v6, v5;
	v6 =	vld [tilespmem:$0xFD0]  }
0xd0: {  	v52 =	vld [tilespmem:$0x7C0]  }
0xd1: {  	v54 =	vld [tilespmem:$0x7D0]  }
0xd2: {  	v10 =	vsub.f32 v10, v14;
	v56 =	vld [tilespmem:$0x7E0]  }
0xd3: {  	v8 =	vsub.f32 v8, v9;
	v55 =	vld [tilespmem:$0xFF0]  }
0xd4: {  	v11 =	vsub.f32 v11, v12;
	v5 =	vadd.f32 v10, v5;
	v58 =	vld [tilespmem:$0x7F0]  }
0xd5: {  	v53 =	vld [tilespmem:$0xFE0]  }
0xd6: {  	v8 =	vmul.f32 v4, v8;
	v5 =	vadd.f32 v11, v5;
	v7 =	vadd.s32 v0, v7;
	_ =	sdelay $0x1  }
0xd7: {  	v5 =	vadd.f32 v8, v5;
	v57 =	vsub.f32 v17, v15;
	v6 =	vadd.s32 v2, v6;
	v9 =	vld.idx.msk [tilespmem:v52+s16+$0x0], $0xffff  }
0xd8: {  	v11 =	vadd.s32 v1, v55;
	v12 =	vld.idx.msk [tilespmem:v54+s16+$0x0], $0xffff  }
0xd9: {  	v59 =	vsub.f32 v19, v16;
	v5 =	vadd.f32 v57, v5;
	v10 =	vadd.s32 v3, v53;
	v13 =	vld.idx.msk [tilespmem:v56+s16+$0x0], $0xffff  }
0xda: {  	v60 =	vsub.f32 v21, v18;
	v7 =	vld.idx.msk [tilespmem:v7+s20+$0x0], $0xffff  }
0xdb: {  	v61 =	vsub.f32 v22, v20;
	v5 =	vadd.f32 v59, v5;
	v63 =	vld.idx.msk [tilespmem:v58+s16+$0x0], $0xffff  }
0xdc: {  	v6 =	vld.idx.msk [tilespmem:v6+s20+$0x0], $0xffff  }
0xdd: {  	v62 =	vmul.f32 v4, v61;
	v5 =	vadd.f32 v60, v5;
	v11 =	vld.idx.msk [tilespmem:v11+s20+$0x0], $0xffff  }
0xde: {  	v10 =	vld.idx.msk [tilespmem:v10+s20+$0x0], $0xffff  }
0xdf: {  	v5 =	vadd.f32 v62, v5;
	v7 =	vsub.f32 v9, v7;
	_ =	sdelay $0x1  }
0xe0: {  	v6 =	vsub.f32 v12, v6;
	v5 =	vadd.f32 v7, v5  }
0xe1: {  	v7 =	vsub.f32 v63, v11  }
0xe2: {  	_ =	swait.ge [sflag:s22], $0xC350;
	v5 =	vadd.f32 v6, v5;
	v6 =	vsub.f32 v13, v10  }
0xe3: {  	[sflag:s22] =	ssyncset.done $0x0  }
0xe4: {  	[sflag:s22] =	ssyncadd.s32 $0xFFFF3CB0;
	v5 =	vadd.f32 v6, v5;
	v6 =	vmul.f32 v4, v7  }
0xe5: {  	_ =	swait.ge [sflag:s25], $0xC350  }
0xe6: {  	s29 =	sadd.s32 $0x1, s29;
	[sflag:s25] =	ssyncset.done $0x0;
	v5 =	vadd.f32 v6, v5  }
0xe7: {  	p0 =	sne.s32 s29, s12;
	[sflag:s25] =	ssyncadd.s32 $0xFFFF3CB0  }
.Ltmp1:
0xe8: {  	[tilespmem:$0x19A88] =	vst v5;
	(pc) =	sbr.rel @p0 .LBB2_1-.Ltmp1, $4  }
0xe9: {  	[hbm4b:s11+s2] =	stream.linear.scatter [tilespmem:s28], [sflag:$0x5], $0x10, $0x38;
	[tilespmem:$0x19A98] =	vst v63  }
0xea: {  	_ =	swait.ge [sflag:s14], $0x10  }
0xeb: {  	[sflag:s14] =	ssyncset.done $0x0  }
0xec: {  	[sflag:s14] =	ssyncadd.s32 $0xFFFFFFF0  }
0xed: {  	_ =	sfence.sel $0x180000  }
0xee: {  	[bflag:$0x0] =	sbarrier.arrive $0xFFFF  }
0xef: {  	_ =	strace $0x90000047  }
0xf0: {  	s0 =	stileid.u32;
	[bflag:$0x2] =	sbarrier.arrive $0xFFFF  }
0xf1: {  	p0 =	sne.s32 s0, $0x0;
	s0 =	rddreg [dreg:$0x2]  }
0xf2: {  	s0 =	sadd.s32 @!p0 $0x100000, s0  }
0xf3: {  	[sflag:s0] =	ssyncadd.tile.s32 @!p0 $0x1;
	_ =	shalt  }
.Lfunc_end2:
_tile_overlayer_lowered:
.L_overlay_start_2:
0xf4: {  	(tag) =	ssettag $0x2  }
0xf5: {  	s0 =	rddreg [dreg:$0x0];
	s2 =	stileid.u32  }
0xf6: {  	s1 =	rddreg [dreg:$0x1];
	p0 =	sne.s32 s2, $0x0  }
0xf7: {  	s3 =	rddreg [dreg:$0x2];
	[bflag:$0x3] =	sbarrier.arrive $0xFFFF;
	s2 =	simm.s32 @!p0 $0x1C05  }
0xf8: {  	[timem:s3], [sflag:s2] =	dma.local @!p0 [hbm:s0], s1  }
0xf9: {  	s0 =	simm.s32 @!p0 $0x5  }
0xfa: {  	_ =	swait.ge @!p0 [sflag:s0], s1  }
0xfb: {  	s1 =	ssub.s32 @!p0 $0x0, s1;
	[sflag:s0] =	ssyncset.done @!p0 $0x0  }
0xfc: {  	[sflag:s0] =	ssyncadd.s32 @!p0 s1  }
0xfd: {  	[bflag:$0x3] =	sbarrier.arrive $0xFFFF  }
0xfe: {  	_ =	shalt  }

// kernel: sparse-core-data-format-call.cloned.1.call-start
scs
called_computation_lowered:
.L_overlay_start_0:
0x0: {  	s2 =	sld [smem:$0x3FD9]  }
0x1: {  	s3 =	sld [smem:$0x3FFE];
	_ =	sdelay $0x1  }
0x2: {  	s1 =	srdreg.scid  }
0x3: {  	s0 =	sand.u32 $0x1, s1  }
0x4: {  	s15 =	sshll.u32 s0, $0xA;
	s2 =	sadd.s32 s3, s2  }
0x5: {  	s2 =	sadd.s32 s2, s15  }
0x6: {  	[smem:$0x3FC5] =	sst s2  }
0x7: {  	_ = 	snop  }
0x8: {  	s2 =	sld [smem:$0x3FD0];
	_ =	sdelay $0x2  }
0x9: {  	s16 =	simm.s32 $0xA;
	s4 =	simm.s32 $0x10  }
0xa: {  	[smem:s4], [sflag:s16] =	dma.local [hbm:s2], $0x1  }
0xb: {  	_ =	swait.eq [sflag:s16], $0x1  }
0xc: {  	[sflag:s16] =	ssyncset.done $0x0  }
0xd: {  	[sflag:s16] =	ssyncadd.s32 $0xFFFFFFFF  }
0xe: {  	s17 =	sld [smem:$0x10];
	(tm) =	ssettm $0x1  }
0xf: {  	s18 =	sld [smem:$0x3FFB];
	_ =	sdelay $0x3  }
0x10: {  	_ =	strace s18  }
0x11: {  	s3 =	sld [smem:$0x3FFC];
	_ =	sdelay $0x3  }
0x12: {  	_ =	strace s3  }
0x13: {  	s3 =	sld [smem:$0x3FFD];
	_ =	sdelay $0x3  }
0x14: {  	_ =	strace s3  }
0x15: {  	_ =	strace $0x8FFFFFFF  }
0x16: {  	s19 =	sld [smem:$0x3FDB];
	_ =	sdelay $0x1  }
0x17: {  	s20 =	simm.s32 $_scs_section_size  }
0x18: {  	s5 =	simm.s32 $_size__tile_overlayer_lowered;
	s6 =	simm.s32 $_tile_overlayer_lowered  }
0x19: {  	s23 =	simm.s32 $0x1BFF;
	s22 =	sshll.u32 s6, $0x1;
	s3 =	sadd.s32 s20, s19  }
0x1a: {  	s7 =	simm.s32 $0x0;
	s21 =	sshll.u32 s5, $0x1;
	s5 =	sadd.s32 s22, s3  }
0x1b: {  	[timem:s7], [sflag:s23] =	dma.local [hbm:s5], s21  }
0x1c: {  	_ =	swait.ge [sflag:s23], s21  }
0x1d: {  	s4 =	ssub.s32 $0x0, s21;
	[sflag:s23] =	ssyncset.done $0x0  }
0x1e: {  	[sflag:s23] =	ssyncadd.s32 s4;
	_ =	sdelay $0x1  }
0x1f: {  	s24 =	simm.s32 $0x1B8B  }
0x20: {  	_ =	swait.ge [sflag:s24], $0x1  }
0x21: {  	[sflag:s24] =	ssyncset.done $0x0  }
0x22: {  	s26 =	simm.s32 $0x1B8E;
	s25 =	sld [smem:$0x3FFE];
	[sflag:s24] =	ssyncadd.s32 $0xFFFFFFFF  }
0x23: {  	s27 =	simm.s32 $execute0_lowered;
	[smem:$0x3FD2] =	sst s26  }
0x24: {  	s5 =	sshll.u32 s27, $0x1;
	_ =	strace $0x80000049;
	[dreg:$0x1] =	wrdreg $0xFFFFFFFF  }
0x25: {  	s28 =	simm.s32 $_size_execute0_lowered;
	s3 =	sadd.s32 s3, s5;
	[dreg:$0x0] =	wrdreg $0x0  }
0x26: {  	s5 =	sshll.u32 s28, $0x1;
	[dreg:$0x2] =	wrdreg s3  }
0x27: {  	[dreg:$0x3] =	wrdreg s5  }
0x28: {  	[dreg:$0x4] =	wrdreg $0xC0  }
0x29: {  	_ =	task [dreg:s7], $0x5FFFF  }
0x2a: {  	[dreg:$0x1] =	wrdreg $0xFFFFFFFF  }
0x2b: {  	[dreg:$0x0] =	wrdreg $0x60  }
0x2c: {  	[dreg:$0x2] =	wrdreg s25  }
0x2d: {  	[dreg:$0x3] =	wrdreg s17  }
0x2e: {  	[dreg:$0x4] =	wrdreg $0x9  }
0x2f: {  	_ =	task.clear_ibuf [dreg:s7], $0x5FFFF;
	_ =	strace $0x90000049  }
0x30: {  	s29 =	simm.s32 $0x9;
	_ =	strace $0x8000004B  }
0x31: {  	_ =	swait.ge [sflag:s29], $0x1  }
0x32: {  	[sflag:s29] =	ssyncadd.s32 $0xFFFFFFFF  }
0x33: {  	_ =	strace $0x9000004B  }
0x34: {  	_ =	sfence  }
0x35: {  	s30 =	sld [smem:$0x0];
	_ =	sdelay $0x2  }
0x36: {  	s31 =	sshll.u32 s1, $0xD;
	s1 =	sshrl.u32 s1, $0x2  }
0x37: {  	s3 =	sand.u32 $0x4000, s31;
	s1 =	sadd.s32 s1, s30  }
0x38: {  	s0 =	sor.u32 s3, s0;
	s1 =	sshll.u32 s1, $0x11  }
0x39: {  	s0 =	sor.u32 s1, s0  }
0x3a: {  	s0 =	sadd.s32 $0x8F2B, s0  }
0x3b: {  	[sflag:s0] =	ssyncadd.remote.s32 $0x1  }
0x3c: {  	_ =	sfence.sel $0xFFFF  }
0x3d: {  	[dreg:$0x0] =	wrdreg $0xFFFFFFFF;
	(pc) =	sbr.abs _section_cstart, $3  }
0x3e: {  	[dreg:$0x1] =	wrdreg $0xFFFFFFFF  }
0x3f: {  	_ =	task.clear_ibuf [dreg:s7], $0x2FFFF;
	_ =	strace $0x9FFFFFFF  }
0x40: {  	(tm) =	ssettm $0x7FFFFFFF  }
0x41: {  	_ =	shalt  }
tec
execute0_lowered:
.L_overlay_start_1:
0x0: {  	(tag) =	ssettag $0x1  }
0x1: {  	s4 =	rddreg [dreg:$0x0]  }
0x2: {  	s0 =	stileid.u32;
	s2 =	rddreg [dreg:$0x1]  }
0x3: {  	s7 =	srdreg.scid;
	s31 =	simm.s32 $0x2;
	s17 =	simm.s32 $0x0  }
0x4: {  	s9 =	simm.s32 $0x2000;
	s19 =	simm.s32 $0x0;
	s18 =	simm.s32 $0x0  }
0x5: {  	s10 =	simm.s32 $0x0;
	s11 =	simm.s32 $0x0;
	s1 =	sshll.u32 s0, $0x7  }
0x6: {  	s12 =	simm.s32 $0x0;
	s14 =	simm.s32 $0x0;
	s3 =	sand.u32 $0x380, s1  }
0x7: {  	s16 =	simm.s32 $0x0;
	s4 =	sadd.s32 $0x24000, s4;
	s5 =	ssub.s32 $0x400, s3  }
0x8: {  	s8 =	sshll.u32 s0, $0x4;
	s7 =	sshll.u32 s7, $0x8;
	s6 =	sand.u32 $0x380, s5  }
0x9: {  	s1 =	rddreg [dreg:$0x2];
	p0 =	sne.s32 s6, $0x0;
	s6 =	simm.s32 $0x1  }
.Ltmp0:
0xa: {  	s5 =	sshrl.u32 s5, $0xA;
	s6 =	simm.s32 @!p0 $0x0;
	(pc) =	sbr.rel .LBB1_1-.Ltmp0, $4  }
0xb: {  	_ =	strace $0x8000004A;
	s7 =	sor.u32 s8, s7;
	s6 =	sadd.s32 s6, s5  }
0xc: {  	s7 =	sand.u32 $0x180, s7;
	s5 =	simm.s32 $0x1;
	s6 =	smul.u32 $0x64, s6  }
0xd: {  	s15 =	smov.u32 s3;
	s13 =	smov.u32 s7;
	[sflag:s5] =	ssyncpa.u1 $0x0  }
0xe: {  	p0 =	por $0x0, $0x0;
	[sflag:s31] =	ssyncpa.u1 $0x0;
	s8 =	sor.u32 $0x1, s6  }
.LBB1_4:
0xf: {  	s25 =	sshll.u32 s10, $0xA;
	s24 =	sshra.s32 s24, $0x2;
	s26 =	sshll.u32 s12, $0x3  }
0x10: {  	p1 =	sgt.s32 s11, $0x31;
	s27 =	smov.u32 s11;
	s28 =	sshra.s32 s11, $0x1F  }
0x11: {  	p2 =	sgt.s32 s12, $0x380;
	s31 =	sshra.s32 s12, $0x1F;
	s25 =	sand.u32 $0xFFFFE000, s25  }
0x12: {  	s26 =	sand.u32 $0xFFFFFC00, s26;
	s27 =	simm.s32 @!p1 $0x31;
	s28 =	sand.u32 s28, s11  }
0x13: {  	[tilespmem:s22+$0x2040 ss:$0x81] =	vst.msk $0xffff, v4;
	s23 =	sadd.s32 s24, s23;
	s29 =	sadd.s32 s26, s25;
	s25 =	ssub.s32 s27, s28  }
0x14: {  	[tilespmem:s22+$0x2850 ss:$0x81] =	vst.msk $0xffff, v3;
	s27 =	smov.u32 s12;
	s28 =	smov.u32 s10;
	s26 =	sand.u32 s31, s12  }
0x15: {  	[tilespmem:s22+$0x3060 ss:$0x81] =	vst.msk $0xffff, v2;
	s24 =	sshrl.u32 s29, $0xA;
	s30 =	sadd.s32 $0xFFFFFFCF, s25;
	s27 =	simm.s32 @!p2 $0x380  }
0x16: {  	v5 =	vld [tilespmem:s21+$0xFFFFFFD0];
	[tilespmem:s22+$0x0 ss:$0x81] =	vst.msk $0xffff, v1;
	p2 =	sgt.s32 s10, $0x368;
	s29 =	sshra.s32 s10, $0x1F;
	s22 =	ssub.s32 $0x32, s25  }
0x17: {  	v58 =	vld [tilespmem:s21+$0xFFFFFFE0];
	p1 =	sgt.s32 s30, $0x0;
	s28 =	simm.s32 @!p2 $0x368;
	s29 =	sand.u32 s29, s10  }
0x18: {  	v59 =	vld [tilespmem:s21+$0xFFFFFFF0];
	s26 =	ssub.s32 s27, s26;
	s27 =	smulhi.u32 $0x418938, s24;
	s28 =	ssub.s32 s28, s29  }
0x19: {  	v60 =	vld [tilespmem:s21+$0x0];
	s30 =	sadd.s32 $0xFFFFFC80, s26;
	s25 =	ssub.s32 $0x400, s26;
	s22 =	simm.s32 @p1 $0x0  }
0x1a: {  	v61 =	vld [tilespmem:s21+$0x10];
	[tilespmem:s23+$0x3870 ss:$0x81] =	vst.msk $0xffff, v0;
	s29 =	sand.u32 $0x78, s12;
	p2 =	sgt.s32 s30, $0x7F;
	s31 =	sadd.s32 $0xFFFFFC98, s28  }
0x1b: {  	v62 =	vld [tilespmem:s21+$0x20];
	[tilespmem:s23+$0x810 ss:$0x81] =	vst.msk $0xffff, v5;
	s27 =	smul.u32 $0x3E8, s27;
	s30 =	sshll.u32 s10, $0x7;
	s28 =	ssub.s32 $0x3E8, s28  }
0x1c: {  	v63 =	vld [tilespmem:s21+$0xFFFFFFC0];
	[tilespmem:s23+$0x1020 ss:$0x81] =	vst.msk $0xffff, v58;
	s25 =	simm.s32 @p2 $0x0;
	p1 =	sgt.s32 s31, $0x7F;
	s31 =	smul.u32 $0x1F400, s11  }
0x1d: {  	[tilespmem:s23+$0x1830 ss:$0x81] =	vst.msk $0xffff, v59;
	s21 =	sand.u32 $0x380, s30;
	s22 =	smul.u32 s25, s22;
	s28 =	simm.s32 @p1 $0x0  }
0x1e: {  	[tilespmem:s23+$0x2040 ss:$0x81] =	vst.msk $0xffff, v60;
	s21 =	sor.u32 s29, s21;
	s24 =	ssub.s32 s24, s27;
	s29 =	sand.u32 $0x7, s12  }
0x1f: {  	[tilespmem:s23+$0x2850 ss:$0x81] =	vst.msk $0xffff, v61;
	s21 =	sshrl.u32 s21, $0x3;
	s25 =	sadd.s32 s2, s31;
	s22 =	smul.u32 s28, s22  }
0x20: {  	[tilespmem:s23+$0x3060 ss:$0x81] =	vst.msk $0xffff, v62;
	s24 =	sshll.u32 s24, $0x7;
	s30 =	sshll.u32 s29, $0x12;
	s21 =	sadd.s32 s21, s25  }
0x21: {  	[tilespmem:s23+$0x0 ss:$0x81] =	vst.msk $0xffff, v63;
	s31 =	sor.u32 $0x400, s30;
	s21 =	sadd.s32 s24, s21;
	s22 =	sand.u32 $0x3FFFFFFF, s22  }
0x22: {  	[hbm4b:s21+s31] =	stream.strided.scatter [tilespmem:s20], [sflag:$0x2], s22, s9, s31, $0x20;
	[tilespmem:$0x10100] =	vst v63  }
.LBB1_5:
0x23: {  	p1 =	slt.u32 s16, $0x2  }
0x24: {  	p2 =	sgt.s32 @!p1 s19, $0x31  }
0x25: {  	s20 =	smov.u32 s19;
	s21 =	sshra.s32 @!p1 s19, $0x1F;
	p2 =	por !p2, p1  }
0x26: {  	s19 =	sand.u32 @!p1 s21, s19;
	s20 =	simm.s32 @p2 $0x31  }
0x27: {  	p3 =	sgt.s32 @!p1 s17, $0x368;
	s19 =	ssub.s32 @!p1 s20, s19  }
0x28: {  	p4 =	sgt.s32 @!p1 s18, $0x380;
	s22 =	sshra.s32 @!p1 s18, $0x1F;
	s20 =	sadd.s32 @!p1 $0xFFFFFFCF, s19  }
0x29: {  	s21 =	smov.u32 s17;
	p2 =	sgt.s32 @!p1 s20, $0x0;
	s20 =	sshra.s32 @!p1 s17, $0x1F  }
0x2a: {  	p4 =	por !p4, p1;
	s17 =	sand.u32 @!p1 s20, s17;
	s20 =	smov.u32 s18  }
0x2b: {  	p3 =	por !p3, p1;
	s18 =	sand.u32 @!p1 s22, s18;
	s20 =	simm.s32 @p4 $0x380  }
0x2c: {  	s21 =	simm.s32 @p3 $0x368;
	s19 =	ssub.s32 @!p1 $0x32, s19;
	s18 =	ssub.s32 @!p1 s20, s18  }
0x2d: {  	p2 =	por !p2, p1;
	s17 =	ssub.s32 @!p1 s21, s17;
	s21 =	sadd.s32 @!p1 $0xFFFFFC80, s18  }
0x2e: {  	s19 =	simm.s32 @!p2 $0x0;
	p3 =	sgt.s32 @!p1 s21, $0x7F  }
0x2f: {  	s20 =	sadd.s32 @!p1 $0xFFFFFC98, s17;
	s18 =	ssub.s32 @!p1 $0x400, s18;
	p3 =	por !p3, p1  }
0x30: {  	p2 =	sgt.s32 @!p1 s20, $0x7F;
	s20 =	sadd.s32 $0x200, s13;
	s18 =	simm.s32 @!p3 $0x0  }
0x31: {  	p3 =	sgt.s32 s20, $0x3E7;
	s18 =	smul.u32 @!p1 s18, s19;
	s19 =	simm.s32 $0x1  }
0x32: {  	s17 =	ssub.s32 @!p1 $0x3E8, s17;
	p2 =	por !p2, p1;
	s19 =	simm.s32 @!p3 $0x0  }
0x33: {  	s22 =	smov.u32 s15;
	s17 =	simm.s32 @!p2 $0x0;
	s21 =	sadd.s32 s19, s14  }
0x34: {  	s17 =	smul.u32 @!p1 s17, s18;
	s18 =	sadd.s32 $0x400, s15;
	p2 =	sgt.s32 s21, $0x31  }
0x35: {  	p0 =	por !p0, !p0;
	s23 =	simm.s32 @!p1 $0x2;
	s22 =	smov.u32 @p2 s18  }
0x36: {  	s20 =	smov.u32 @p3 s7;
	s21 =	simm.s32 @p2 $0x0;
	p2 =	sgt.s32 s22, $0x3FF  }
0x37: {  	s19 =	smov.u32 s11;
	s22 =	smov.u32 @p2 s3;
	p2 =	sne.s32 s16, s8  }
.Ltmp1:
0x38: {  	s11 =	smov.u32 s14;
	s17 =	sand.u32 @!p1 $0x3FFFFFFF, s17;
	(pc) =	sbr.rel @!p2 .LBB1_6-.Ltmp1, $4  }
0x39: {  	s18 =	smov.u32 s12;
	s12 =	smov.u32 s15;
	_ =	swait.ge @!p1 [sflag:s23], s17  }
0x3a: {  	s24 =	ssub.s32 @!p1 $0x0, s17;
	s17 =	smov.u32 s10;
	s10 =	smov.u32 s13  }
0x3b: {  	s13 =	smov.u32 s20;
	s14 =	smov.u32 s21;
	[sflag:s23] =	ssyncset.done @!p1 $0x0  }
0x3c: {  	s16 =	sadd.s32 $0x1, s16;
	[sflag:s23] =	ssyncadd.s32 @!p1 s24;
	s15 =	smov.u32 s22  }
.LBB1_1:
0x3d: {  	p1 =	sge.u32 s16, s6  }
0x3e: {  	s20 =	sshll.u32 @!p1 s14, $0xA  }
0x3f: {  	s21 =	sshll.u32 @!p1 s13, $0x3;
	s20 =	sand.u32 @!p1 $0xFFFFE000, s20  }
0x40: {  	s20 =	sadd.s32 @!p1 s20, s21  }
0x41: {  	s20 =	sshrl.u32 @!p1 s20, $0xA  }
0x42: {  	s21 =	smulhi.u32 @!p1 $0x4924925, s20  }
0x43: {  	s22 =	sshll.u32 @!p1 s14, $0x7;
	s24 =	smul.u32 @!p1 $0x1C00, s15  }
0x44: {  	s23 =	sand.u32 @!p1 $0x78, s13;
	s22 =	sand.u32 @!p1 $0x380, s22;
	s21 =	smul.u32 @!p1 $0x38, s21  }
0x45: {  	s31 =	sadd.s32 $0xFFFFFFFF, s16;
	s22 =	sor.u32 @!p1 s23, s22;
	s23 =	sadd.s32 @!p1 s4, s24  }
0x46: {  	s22 =	sshrl.u32 @!p1 s22, $0x3;
	s20 =	ssub.s32 @!p1 s20, s21;
	s21 =	sxor.u32 @!p1 $0xFFFFFFFF, s16  }
0x47: {  	s22 =	sadd.s32 @!p1 s22, s23;
	s23 =	sand.u32 @!p1 $0x7, s13;
	s21 =	sshll.u32 @!p1 s21, $0xE  }
0x48: {  	s23 =	sshll.u32 @!p1 s23, $0x12;
	s20 =	sshll.u32 @!p1 s20, $0x7;
	s21 =	sand.u32 @!p1 $0x4000, s21  }
0x49: {  	s20 =	sadd.s32 @!p1 s20, s22;
	s22 =	sor.u32 @!p1 $0x80, s23;
	s23 =	simm.s32 @!p1 $0xE000  }
0x4a: {  	[tilespmem:s21], [sflag:$0x1] =	stream.strided.gather @!p1 [hbm4b:s20+s22], $0x4000, s23, s22, $0x38;
	[tilespmem:$0x10100] =	vst v63  }
0x4b: {  	p1 =	sge.u32 s31, s6  }
.Ltmp2:
0x4c: {  	_ = 	snop;
	(pc) =	sbr.rel @p1 .LBB1_5-.Ltmp2, $1  }
0x4d: {  	_ =	sdelay $0x3  }
0x4e: {  	s20 =	simm.s32 $0x1  }
0x4f: {  	_ =	swait.ge [sflag:s5], $0x4000;
	s20 =	simm.s32 @!p0 $0x0  }
0x50: {  	[sflag:s5] =	ssyncset.done $0x0;
	s21 =	sshll.u32 s20, $0xE  }
0x51: {  	[sflag:s5] =	ssyncadd.s32 $0xFFFFC000;
	s21 =	sor.u32 $0x40, s21  }
0x52: {  	s20 =	smul.u32 $0x10200, s20;
	v0 =	vld [tilespmem:s21+$0x30]  }
0x53: {  	v1 =	vld [tilespmem:s21+$0xFFFFFFD0]  }
0x54: {  	s20 =	sshrl.u32 s20, $0x2;
	v5 =	vld [tilespmem:s21+$0xFFFFFFE0]  }
0x55: {  	v6 =	vld [tilespmem:s21+$0xFFFFFFF0];
	s23 =	sor.u32 $0x8000, s20  }
0x56: {  	s31 =	sand.u32 $0x1, s16;
	v4 =	vld [tilespmem:s21+$0x0];
	s22 =	sadd.s32 $0x0, s23  }
0x57: {  	v3 =	vld [tilespmem:s21+$0x10];
	s20 =	smul.u32 $0x10200, s31;
	[tilespmem:s22+$0x3870 ss:$0x81] =	vst.msk $0xffff, v0  }
0x58: {  	v2 =	vld [tilespmem:s21+$0x20];
	[tilespmem:s22+$0x810 ss:$0x81] =	vst.msk $0xffff, v1  }
0x59: {  	s20 =	sshrl.u32 s20, $0x2;
	v1 =	vld [tilespmem:s21+$0xFFFFFFC0];
	[tilespmem:s22+$0x1020 ss:$0x81] =	vst.msk $0xffff, v5;
	s21 =	sadd.s32 $0x80, s21  }
0x5a: {  	s24 =	simm.s32 $0x4;
	s25 =	simm.s32 $0x8;
	s20 =	sor.u32 $0x8000, s20;
	[tilespmem:s22+$0x1830 ss:$0x81] =	vst.msk $0xffff, v6;
	v0 =	vld [tilespmem:s21+$0x30]  }
.LBB1_3:
0x5b: {  	p1 =	sne.s32 s25, $0x1FC;
	v5 =	vld [tilespmem:s21+$0xFFFFFFD0];
	[tilespmem:s22+$0x2040 ss:$0x81] =	vst.msk $0xffff, v4  }
0x5c: {  	v6 =	vld [tilespmem:s21+$0xFFFFFFE0];
	[tilespmem:s22+$0x2850 ss:$0x81] =	vst.msk $0xffff, v3  }
0x5d: {  	s26 =	sshra.s32 s24, $0x2;
	s24 =	smov.u32 s25;
	v7 =	vld [tilespmem:s21+$0xFFFFFFF0];
	[tilespmem:s22+$0x3060 ss:$0x81] =	vst.msk $0xffff, v2  }
.Ltmp3:
0x5e: {  	v4 =	vld [tilespmem:s21+$0x0];
	[tilespmem:s22+$0x0 ss:$0x81] =	vst.msk $0xffff, v1;
	s22 =	sadd.s32 s26, s23;
	(pc) =	sbr.rel @p1 .LBB1_3-.Ltmp3, $4  }
0x5f: {  	v3 =	vld [tilespmem:s21+$0x10];
	[tilespmem:s22+$0x3870 ss:$0x81] =	vst.msk $0xffff, v0  }
0x60: {  	[tilespmem:s22+$0x810 ss:$0x81] =	vst.msk $0xffff, v5;
	v2 =	vld [tilespmem:s21+$0x20]  }
0x61: {  	v1 =	vld [tilespmem:s21+$0xFFFFFFC0];
	[tilespmem:s22+$0x1020 ss:$0x81] =	vst.msk $0xffff, v6;
	s21 =	sadd.s32 $0x80, s21  }
0x62: {  	s25 =	sadd.s32 $0x4, s25;
	v0 =	vld [tilespmem:s21+$0x30];
	[tilespmem:s22+$0x1830 ss:$0x81] =	vst.msk $0xffff, v7  }
.Ltmp4:
0x63: {  	_ = 	snop;
	(pc) =	sbr.rel .LBB1_4-.Ltmp4, $1  }
0x64: {  	_ =	sdelay $0x3  }
.LBB1_6:
0x65: {  	_ =	sfence.sel $0x180000  }
0x66: {  	s2 =	simm.s32 $0x1;
	[bflag:$0x0] =	sbarrier.arrive $0xFFFF  }
0x67: {  	s31 =	simm.s32 $0x2;
	[sflag:s2] =	ssyncpa.u1 $0x1  }
0x68: {  	[sflag:s31] =	ssyncpa.u1 $0x1  }
0x69: {  	p0 =	sne.s32 s0, $0x0;
	_ =	strace $0x9000004A  }
0x6a: {  	s0 =	sadd.s32 @!p0 $0x100000, s1;
	[bflag:$0x2] =	sbarrier.arrive $0xFFFF  }
0x6b: {  	[sflag:s0] =	ssyncadd.tile.s32 @!p0 $0x1;
	_ =	shalt  }
.Lfunc_end1:
_tile_overlayer_lowered:
.L_overlay_start_2:
0x6c: {  	(tag) =	ssettag $0x2  }
0x6d: {  	s0 =	rddreg [dreg:$0x0];
	s2 =	stileid.u32  }
0x6e: {  	s1 =	rddreg [dreg:$0x1];
	p0 =	sne.s32 s2, $0x0  }
0x6f: {  	s3 =	rddreg [dreg:$0x2];
	[bflag:$0x3] =	sbarrier.arrive $0xFFFF;
	s2 =	simm.s32 @!p0 $0x1C01  }
0x70: {  	[timem:s3], [sflag:s2] =	dma.local @!p0 [hbm:s0], s1  }
0x71: {  	s0 =	simm.s32 @!p0 $0x1  }
0x72: {  	_ =	swait.ge @!p0 [sflag:s0], s1  }
0x73: {  	s1 =	ssub.s32 @!p0 $0x0, s1;
	[sflag:s0] =	ssyncset.done @!p0 $0x0  }
0x74: {  	[sflag:s0] =	ssyncadd.s32 @!p0 s1  }
0x75: {  	[bflag:$0x3] =	sbarrier.arrive $0xFFFF  }
0x76: {  	_ =	shalt  }

</sc_bundles>
